<compile_context>
chip_gen: v7x
topology: tpu7x:2x2x1
jax: 0.10.2.dev20260603
libtpu: 0.0.44.dev20260713+nightly
codegen_flags: <defaults>
</compile_context>

<pallas_src>
import functools

import jax
import jax.numpy as jnp
from jax import lax
from jax.experimental import pallas as pl
from jax.experimental.pallas import tpu as pltpu
from jax.experimental.pallas import tpu_sc as plsc

NN = 10000
EE = 320000
FIN = 128
FH = 64
FOUT = 10

NC = 2
NS = 16
NP = 10240

_MESH = plsc.VectorSubcoreMesh(core_axis_name="c", subcore_axis_name="s")


EPT_H = EE // (NC * NS)


@functools.partial(
    pl.kernel,
    out_type=jax.ShapeDtypeStruct((NC * NS, 1, NP), jnp.float32),
    mesh=_MESH,
    scratch_types=[
        pltpu.VMEM((EPT_H,), jnp.int32),
        pltpu.VMEM((NP,), jnp.float32),
    ],
    compiler_params=pltpu.CompilerParams(needs_layout_passes=False),
)
def _histo_kernel(row_hbm, hist_out, idx_all, hist):
    cid = lax.axis_index("c")
    sid = lax.axis_index("s")
    wid = cid * NS + sid

    zv = jnp.zeros((16,), jnp.float32)

    def zero(i, _):
        hist[pl.ds(i * 16, 16)] = zv
        return 0

    lax.fori_loop(0, NP // 16, zero, 0)

    pltpu.sync_copy(row_hbm.at[pl.ds(wid * EPT_H, EPT_H)], idx_all)

    ones = jnp.full((16,), 1.0, jnp.float32)

    def acc(i, _):
        idx16 = idx_all[pl.ds(i * 16, 16)]
        plsc.addupdate_scatter(hist, [idx16], ones)
        return 0

    lax.fori_loop(0, EPT_H // 16, acc, 0)

    pltpu.sync_copy(hist, hist_out.at[wid, 0])


BD = 1000


def _scale_body(x_ref, h_ref, deg_ref, vp0_ref, vp1_ref):
    deg = deg_ref[...]
    pos = deg > 0.0
    dinv = jnp.where(pos, lax.rsqrt(jnp.where(pos, deg, 1.0)), 0.0)
    vp0_ref[...] = dinv * x_ref[...]
    vp1_ref[...] = dinv * h_ref[...]


def _scale(x, hs, deg):
    grid = NN // BD
    return pl.pallas_call(
        _scale_body,
        grid=(grid,),
        in_specs=[
            pl.BlockSpec((BD, FIN), lambda i: (i, 0)),
            pl.BlockSpec((BD, FH), lambda i: (i, 0)),
            pl.BlockSpec((BD, 1), lambda i: (i, 0)),
        ],
        out_specs=[
            pl.BlockSpec((BD, FIN), lambda i: (i, 0)),
            pl.BlockSpec((BD, FH), lambda i: (i, 0)),
        ],
        out_shape=[
            jax.ShapeDtypeStruct((NN, FIN), jnp.float32),
            jax.ShapeDtypeStruct((NN, FH), jnp.float32),
        ],
    )(x, hs, deg)


ER = 2500
EC = 128


def _pack_body(r_ref, c_ref, p_ref):
    p_ref[...] = r_ref[...] * 16384 + c_ref[...]


def _pack(row, col):
    r2 = row.reshape(ER, EC)
    c2 = col.reshape(ER, EC)
    return pl.pallas_call(
        _pack_body,
        out_shape=jax.ShapeDtypeStruct((ER, EC), jnp.int32),
    )(r2, c2).reshape(EE)


FT = FIN + FH
FPT = FT // (NC * NS)
SB_E = 6400
NSB_E = EE // SB_E


@functools.partial(
    pl.kernel,
    out_type=jax.ShapeDtypeStruct((FT, 1, NN), jnp.float32),
    mesh=_MESH,
    scratch_types=[
        pltpu.VMEM((SB_E,), jnp.int32)] +
        [pltpu.VMEM((NN,), jnp.float32) for _ in range(2 * FPT)],
    compiler_params=pltpu.CompilerParams(needs_layout_passes=False),
)
def _edge_kernel(packed_hbm, vpt_hbm, agg_out, pbuf, *vrows_accs):
    cid = lax.axis_index("c")
    sid = lax.axis_index("s")
    wid = cid * NS + sid

    vrows = vrows_accs[:FPT]
    accs = vrows_accs[FPT:]

    zv = jnp.zeros((16,), jnp.float32)

    def zero(i, _):
        for a in accs:
            a[pl.ds(i * 16, 16)] = zv
        return 0

    lax.fori_loop(0, NN // 16, zero, 0)

    for j, vr in enumerate(vrows):
        pltpu.sync_copy(vpt_hbm.at[wid * FPT + j, 0], vr)

    def superblock(b, _):
        pltpu.sync_copy(packed_hbm.at[pl.ds(b * SB_E, SB_E)], pbuf)

        def vstep(i, _):
            for u in range(4):
                pk = pbuf[pl.ds(i * 64 + u * 16, 16)]
                row16 = lax.shift_right_logical(pk, 14)
                col16 = jnp.bitwise_and(pk, 16383)
                gs = [plsc.load_gather(vr, [col16]) for vr in vrows]
                for a, g in zip(accs, gs):
                    plsc.addupdate_scatter(a, [row16], g)
            return 0

        lax.fori_loop(0, SB_E // 64, vstep, 0)
        return 0

    lax.fori_loop(0, NSB_E, superblock, 0)

    for j, a in enumerate(accs):
        pltpu.sync_copy(a, agg_out.at[wid * FPT + j, 0])


def _dense_body(x_ref, h_ref, c_ref, agg0_ref, agg1_ref, deg_ref,
                wx0_ref, wx1_ref, wh0_ref, wh1_ref, btot_ref, wp_ref,
                wout_ref, bout_ref, out_ref, hr_ref, cn_ref):
    deg = deg_ref[...]
    pos = deg > 0.0
    dinv = jnp.where(pos, lax.rsqrt(jnp.where(pos, deg, 1.0)), 0.0)
    sgn = jnp.where(pos, 1.0, -1.0)

    xb = x_ref[...]
    hb = h_ref[...]
    cb = c_ref[...]
    aggx = agg0_ref[...]
    aggh = agg1_ref[...]

    lx = sgn * xb - 2.0 * dinv * aggx
    lh = sgn * hb - 2.0 * dinv * aggh

    hi = jax.lax.Precision.HIGHEST
    g = (
        jnp.dot(xb, wx0_ref[...], precision=hi, preferred_element_type=jnp.float32)
        + jnp.dot(lx, wx1_ref[...], precision=hi, preferred_element_type=jnp.float32)
        + jnp.dot(hb, wh0_ref[...], precision=hi, preferred_element_type=jnp.float32)
        + jnp.dot(lh, wh1_ref[...], precision=hi, preferred_element_type=jnp.float32)
        + btot_ref[...]
    )

    ig = jax.nn.sigmoid(g[:, 0:FH] + wp_ref[0:1, :] * cb)
    fg = jax.nn.sigmoid(g[:, FH:2 * FH] + wp_ref[1:2, :] * cb)
    tg = jnp.tanh(g[:, 2 * FH:3 * FH])
    cn = fg * cb + ig * tg
    og = jax.nn.sigmoid(g[:, 3 * FH:4 * FH] + wp_ref[2:3, :] * cn)
    hn = og * jnp.tanh(cn)
    hr = jnp.maximum(hn, 0.0)

    out_ref[...] = (
        jnp.dot(hr, wout_ref[...], precision=hi, preferred_element_type=jnp.float32)
        + bout_ref[...]
    )
    hr_ref[...] = hr
    cn_ref[...] = cn


def _dense(x, hs, cs, agg0, agg1, deg, wx0, wx1, wh0, wh1, btot, wp,
           wout, bout):
    grid = NN // BD
    blk = lambda r, c: pl.BlockSpec((r, c), lambda i: (i, 0))
    full = lambda r, c: pl.BlockSpec((r, c), lambda i: (0, 0))
    return pl.pallas_call(
        _dense_body,
        grid=(grid,),
        in_specs=[
            blk(BD, FIN), blk(BD, FH), blk(BD, FH),
            blk(BD, FIN), blk(BD, FH), blk(BD, 1),
            full(FIN, 4 * FH), full(FIN, 4 * FH),
            full(FH, 4 * FH), full(FH, 4 * FH),
            full(1, 4 * FH), full(3, FH), full(FH, FOUT), full(1, FOUT),
        ],
        out_specs=[
            pl.BlockSpec((BD, FOUT), lambda i: (i, 0)),
            pl.BlockSpec((BD, FH), lambda i: (i, 0)),
            pl.BlockSpec((BD, FH), lambda i: (i, 0)),
        ],
        out_shape=[
            jax.ShapeDtypeStruct((NN, FOUT), jnp.float32),
            jax.ShapeDtypeStruct((NN, FH), jnp.float32),
            jax.ShapeDtypeStruct((NN, FH), jnp.float32),
        ],
    )(x, hs, cs, agg0, agg1, deg, wx0, wx1, wh0, wh1, btot, wp, wout,
      bout)


def kernel(x, edge_index, prev_state, Wx, Wh, bx, bh, w_peep, b_gate, W_out, b_out):
    row = edge_index[0]
    col = edge_index[1]
    hs = prev_state[0]
    cs = prev_state[1]

    hist = _histo_kernel(row)
    deg = jnp.sum(hist[:, 0, :], axis=0)[:NN, None]
    vp0, vp1 = _scale(x, hs, deg)
    vpt = jnp.transpose(jnp.concatenate([vp0, vp1], axis=1)).reshape(FT, 1, NN)
    packed = _pack(row, col)
    aggt = _edge_kernel(packed, vpt)
    agg = jnp.transpose(aggt.reshape(FT, NN))
    agg0 = agg[:, :FIN]
    agg1 = agg[:, FIN:]

    wx0 = jnp.transpose(Wx[:, 0], (1, 0, 2)).reshape(FIN, 4 * FH)
    wx1 = jnp.transpose(Wx[:, 1], (1, 0, 2)).reshape(FIN, 4 * FH)
    wh0 = jnp.transpose(Wh[:, 0], (1, 0, 2)).reshape(FH, 4 * FH)
    wh1 = jnp.transpose(Wh[:, 1], (1, 0, 2)).reshape(FH, 4 * FH)
    btot = (bx + bh + b_gate).reshape(1, 4 * FH)
    bout = b_out.reshape(1, FOUT)

    out, hr, cn = _dense(x, hs, cs, agg0, agg1, deg,
                         wx0, wx1, wh0, wh1, btot, w_peep, W_out, bout)
    return out, jnp.stack((hr, cn))

# --- scband reference (transcript-rebuilt; emitter-appended) ---
"""Pipeline reference for scband-gcrn-lstm-model-50208167690906 (READ-ONLY COPY).

The authoritative reference and input builder live on the scoring server;
editing this copy changes nothing except your own understanding.
"""

import jax, jax.numpy as jnp
import numpy as np

N = 10000
E = 320000
F_IN = 128
F_H = 64
F_OUT = 10
K = 2


def setup_inputs(seed: int = 0) -> dict:
    key = jax.random.key(seed)
    ks = jax.random.split(key, 12)
    x = jax.random.normal(ks[0], (N, F_IN), dtype=jnp.float32)
    edge_index = jax.random.randint(ks[1], (2, E), 0, N, dtype=jnp.int32)
    prev_state = jax.random.normal(ks[2], (2, N, F_H), dtype=jnp.float32) * 0.1
    Wx = jax.random.normal(ks[3], (4, K, F_IN, F_H), dtype=jnp.float32) * 0.05
    Wh = jax.random.normal(ks[4], (4, K, F_H, F_H), dtype=jnp.float32) * 0.05
    bx = jnp.zeros((4, F_H), dtype=jnp.float32)
    bh = jnp.zeros((4, F_H), dtype=jnp.float32)
    w_peep = jax.random.normal(ks[5], (3, F_H), dtype=jnp.float32) * 0.05
    b_gate = jnp.zeros((4, F_H), dtype=jnp.float32)
    W_out = jax.random.normal(ks[6], (F_H, F_OUT), dtype=jnp.float32) * 0.05
    b_out = jnp.zeros((F_OUT,), dtype=jnp.float32)
    return {"x": x, "edge_index": edge_index, "prev_state": prev_state,
            "Wx": Wx, "Wh": Wh, "bx": bx, "bh": bh, "w_peep": w_peep,
            "b_gate": b_gate, "W_out": W_out, "b_out": b_out}


def reference(x, edge_index, prev_state, Wx, Wh, bx, bh, w_peep, b_gate, W_out, b_out):
    row, col = edge_index[0], edge_index[1]
    ew = jnp.ones((E,), dtype=x.dtype)
    # symmetric normalized Laplacian L = I - D^{-1/2} A D^{-1/2}  (get_laplacian, sym)
    deg = jnp.zeros((N,), dtype=x.dtype).at[row].add(ew)
    dinv = jnp.where(deg > 0, 1.0 / jnp.sqrt(jnp.where(deg > 0, deg, 1.0)), 0.0)
    norm_w = dinv[row] * ew * dinv[col]
    diag = jnp.where(deg > 0, 1.0, 0.0)
    # lambda_max = edge_weight.max() of the laplacian weights (original forward)
    lambda_max = jnp.maximum(jnp.max(-norm_w), jnp.max(diag))

    def lap(v):
        agg = jnp.zeros_like(v).at[row].add(norm_w[:, None] * v[col])
        return diag[:, None] * v - agg

    def lhat(v):
        # scaled laplacian: 2 L / lambda_max - I
        return (2.0 / lambda_max) * lap(v) - v

    def cheb(v, W, b):
        # ChebConv with K hops: sum_k T_k(L_hat) v @ W[k] + b
        Tx0 = v
        out = Tx0 @ W[0]
        Tx1 = Tx0
        for k in range(1, K):
            if k == 1:
                Tx1 = lhat(Tx0)
                out = out + Tx1 @ W[1]
            else:
                Tx2 = 2.0 * lhat(Tx1) - Tx0
                out = out + Tx2 @ W[k]
                Tx0, Tx1 = Tx1, Tx2
        return out + b

    H, C = prev_state[0], prev_state[1]
    # GConvLSTM gates (Chebyshev graph conv LSTM with peephole connections)
    I = jax.nn.sigmoid(cheb(x, Wx[0], bx[0]) + cheb(H, Wh[0], bh[0]) + w_peep[0] * C + b_gate[0])
    Fg = jax.nn.sigmoid(cheb(x, Wx[1], bx[1]) + cheb(H, Wh[1], bh[1]) + w_peep[1] * C + b_gate[1])
    Tg = jnp.tanh(cheb(x, Wx[2], bx[2]) + cheb(H, Wh[2], bh[2]) + b_gate[2])
    C_new = Fg * C + I * Tg
    O = jax.nn.sigmoid(cheb(x, Wx[3], bx[3]) + cheb(H, Wh[3], bh[3]) + w_peep[2] * C_new + b_gate[3])
    H_new = O * jnp.tanh(C_new)
    h = jax.nn.relu(H_new)
    # readout predictor (linear node-level head)
    out = h @ W_out + b_out
    return out, jnp.stack((h, C_new))

if __name__ == "__main__":
    import jax
    _d = setup_inputs()
    print(jax.jit(kernel)(*tuple(_d.values())))

</pallas_src>

<mosaic_0001>
#map = affine_map<(d0, d1) -> (0)>
#map1 = affine_map<(d0, d1) -> (0, 0, 0)>
module attributes {stable_mosaic.version = 14 : i64} {
  func.func @_histo_kernel(%arg0: i32, %arg1: i32, %arg2: memref<320000xi32, #tpu.memory_space<hbm>>, %arg3: memref<32x1x10240xf32, #tpu.memory_space<hbm>>, %arg4: memref<10000xi32, #tpu.memory_space<vmem>>, %arg5: memref<10240xf32, #tpu.memory_space<vmem>>) attributes {dimension_semantics = [#tpu.dimension_semantics<core_parallel>, #tpu.dimension_semantics<subcore_parallel>], iteration_bounds = array<i64: 2, 16>, scalar_prefetch = 0 : i64, scratch_operands = 2 : i64, tpu.core_type = #tpu.core_type<sc_vector_subcore>, window_params = [{transform_indices = #map}, {transform_indices = #map1}]} {
    %mul3A = arith.constant 16 : i32
    %mul3A_0 = arith.muli %arg0, %mul3A : i32
    %add3A = arith.addi %mul3A_0, %arg1 : i32
    %broadcast_in_dim3A = arith.constant 0.000000e+00 : f32
    %broadcast_in_dim3A_1 = vector.broadcast %broadcast_in_dim3A : f32 to vector<16xf32>
    %scan3A = arith.constant 0 : i32
    %scan3A_2 = arith.constant 0 : i32
    %scan3A_3 = arith.constant 640 : i32
    %scan3A_4 = arith.addi %scan3A_2, %scan3A_3 : i32
    %scan3A_5 = arith.constant 1 : i32
    %scan3A_6 = scf.for %scan3A_19 = %scan3A_2 to %scan3A_4 step %scan3A_5 iter_args(%scan3A_20 = %scan3A) -> (i32)  : i32 {
      %mul3A_21 = arith.constant 16 : i32
      %mul3A_22 = arith.muli %scan3A_19, %mul3A_21 : i32
      %swap3A = arith.index_cast %mul3A_22 : i32 to index
      %swap3A_23 = tpu.vector_load %arg5[%swap3A] {strides = array<i32>} : memref<10240xf32, #tpu.memory_space<vmem>>, vector<16xf32>,
      tpu.vector_store %arg5[%swap3A], %broadcast_in_dim3A_1 {strides = array<i32>} : memref<10240xf32, #tpu.memory_space<vmem>>, vector<16xf32>,
      %scan3A_24 = arith.constant 0 : i32
      scf.yield %scan3A_24 : i32
    }
    %scan3A_7 = arith.constant 640 : i32
    %mul3A_8 = arith.constant 10000 : i32
    %mul3A_9 = arith.muli %add3A, %mul3A_8 : i32
    "tpu.region"() ({
      %run_scoped3A_19 = tpu.sem_alloc : memref<!tpu.dma_semaphore, #tpu.memory_space<semaphore_mem>>
      %dma_start3A = tpu.memref_slice %arg2[%mul3A_9] : memref<320000xi32, #tpu.memory_space<hbm>> -> memref<10000xi32, #tpu.memory_space<hbm>>
      %dma_start3A_20 = tpu.memref_slice %arg2[%mul3A_9] : memref<320000xi32, #tpu.memory_space<hbm>> -> memref<10000xi32, #tpu.memory_space<hbm>>
      tpu.enqueue_dma source(%dma_start3A_20 : memref<10000xi32, #tpu.memory_space<hbm>>) target(%arg4 : memref<10000xi32, #tpu.memory_space<vmem>>) target_semaphore(%run_scoped3A_19 : memref<!tpu.dma_semaphore, #tpu.memory_space<semaphore_mem>>)
      %dma_wait3A = tpu.memref_slice %arg2[%mul3A_9] : memref<320000xi32, #tpu.memory_space<hbm>> -> memref<10000xi32, #tpu.memory_space<hbm>>
      %dma_wait3A_21 = tpu.memref_slice %arg2[%mul3A_9] : memref<320000xi32, #tpu.memory_space<hbm>> -> memref<10000xi32, #tpu.memory_space<hbm>>
      tpu.wait_dma2 semaphore(%run_scoped3A_19 : memref<!tpu.dma_semaphore, #tpu.memory_space<semaphore_mem>>) src(%dma_wait3A_21 : memref<10000xi32, #tpu.memory_space<hbm>>) dst(%arg4 : memref<10000xi32, #tpu.memory_space<vmem>>)
      tpu.yield
    }) : () -> ()
    %broadcast_in_dim3A_10 = arith.constant 1.000000e+00 : f32
    %broadcast_in_dim3A_11 = vector.broadcast %broadcast_in_dim3A_10 : f32 to vector<16xf32>
    %scan3A_12 = arith.constant 0 : i32
    %scan3A_13 = arith.constant 0 : i32
    %scan3A_14 = arith.constant 625 : i32
    %scan3A_15 = arith.addi %scan3A_13, %scan3A_14 : i32
    %scan3A_16 = arith.constant 1 : i32
    %scan3A_17 = scf.for %scan3A_19 = %scan3A_13 to %scan3A_15 step %scan3A_16 iter_args(%scan3A_20 = %scan3A_12) -> (i32)  : i32 {
      %mul3A_21 = arith.constant 16 : i32
      %mul3A_22 = arith.muli %scan3A_19, %mul3A_21 : i32
      %get3A = arith.index_cast %mul3A_22 : i32 to index
      %get3A_23 = tpu.vector_load %arg4[%get3A] {strides = array<i32>} : memref<10000xi32, #tpu.memory_space<vmem>>, vector<16xi32>,
      tpu.vector_store_idx %arg5[%get3A_23], %broadcast_in_dim3A_11 {add = true} : memref<10240xf32, #tpu.memory_space<vmem>>[vector<16xi32>], vector<16xf32>,
      %scan3A_24 = arith.constant 0 : i32
      scf.yield %scan3A_24 : i32
    }
    %scan3A_18 = arith.constant 625 : i32
    %run_scoped3A = arith.constant 0 : i32
    "tpu.region"() ({
      %run_scoped3A_19 = tpu.sem_alloc : memref<!tpu.dma_semaphore, #tpu.memory_space<semaphore_mem>>
      %dma_start3A = arith.constant 0 : i32
      %dma_start3A_20 = tpu.memref_slice %arg3[%add3A, %run_scoped3A, %dma_start3A] : memref<32x1x10240xf32, #tpu.memory_space<hbm>> -> memref<1x1x10240xf32, #tpu.memory_space<hbm>>
      %dma_start3A_21 = tpu.memref_squeeze %dma_start3A_20 : memref<1x1x10240xf32, #tpu.memory_space<hbm>> -> memref<10240xf32, #tpu.memory_space<hbm>>
      %dma_start3A_22 = arith.constant 0 : i32
      %dma_start3A_23 = tpu.memref_slice %arg3[%add3A, %run_scoped3A, %dma_start3A_22] : memref<32x1x10240xf32, #tpu.memory_space<hbm>> -> memref<1x1x10240xf32, #tpu.memory_space<hbm>>
      %dma_start3A_24 = tpu.memref_squeeze %dma_start3A_23 : memref<1x1x10240xf32, #tpu.memory_space<hbm>> -> memref<10240xf32, #tpu.memory_space<hbm>>
      tpu.enqueue_dma source(%arg5 : memref<10240xf32, #tpu.memory_space<vmem>>) target(%dma_start3A_24 : memref<10240xf32, #tpu.memory_space<hbm>>) target_semaphore(%run_scoped3A_19 : memref<!tpu.dma_semaphore, #tpu.memory_space<semaphore_mem>>)
      %dma_wait3A = arith.constant 0 : i32
      %dma_wait3A_25 = tpu.memref_slice %arg3[%add3A, %run_scoped3A, %dma_wait3A] : memref<32x1x10240xf32, #tpu.memory_space<hbm>> -> memref<1x1x10240xf32, #tpu.memory_space<hbm>>
      %dma_wait3A_26 = tpu.memref_squeeze %dma_wait3A_25 : memref<1x1x10240xf32, #tpu.memory_space<hbm>> -> memref<10240xf32, #tpu.memory_space<hbm>>
      %dma_wait3A_27 = arith.constant 0 : i32
      %dma_wait3A_28 = tpu.memref_slice %arg3[%add3A, %run_scoped3A, %dma_wait3A_27] : memref<32x1x10240xf32, #tpu.memory_space<hbm>> -> memref<1x1x10240xf32, #tpu.memory_space<hbm>>
      %dma_wait3A_29 = tpu.memref_squeeze %dma_wait3A_28 : memref<1x1x10240xf32, #tpu.memory_space<hbm>> -> memref<10240xf32, #tpu.memory_space<hbm>>
      tpu.wait_dma2 semaphore(%run_scoped3A_19 : memref<!tpu.dma_semaphore, #tpu.memory_space<semaphore_mem>>) src(%arg5 : memref<10240xf32, #tpu.memory_space<vmem>>) dst(%dma_wait3A_29 : memref<10240xf32, #tpu.memory_space<hbm>>)
      tpu.yield
    }) : () -> ()
    return
  }
}

#map = affine_map<(d0, d1) -> (0)>
#map1 = affine_map<(d0, d1) -> (0, 0, 0)>
module attributes {stable_mosaic.version = 14 : i64} {
  func.func @_edge_kernel(%arg0: i32, %arg1: i32, %arg2: memref<320000xi32, #tpu.memory_space<hbm>>, %arg3: memref<192x1x10000xf32, #tpu.memory_space<hbm>>, %arg4: memref<192x1x10000xf32, #tpu.memory_space<hbm>>, %arg5: memref<6400xi32, #tpu.memory_space<vmem>>, %arg6: memref<10000xf32, #tpu.memory_space<vmem>>, %arg7: memref<10000xf32, #tpu.memory_space<vmem>>, %arg8: memref<10000xf32, #tpu.memory_space<vmem>>, %arg9: memref<10000xf32, #tpu.memory_space<vmem>>, %arg10: memref<10000xf32, #tpu.memory_space<vmem>>, %arg11: memref<10000xf32, #tpu.memory_space<vmem>>, %arg12: memref<10000xf32, #tpu.memory_space<vmem>>, %arg13: memref<10000xf32, #tpu.memory_space<vmem>>, %arg14: memref<10000xf32, #tpu.memory_space<vmem>>, %arg15: memref<10000xf32, #tpu.memory_space<vmem>>, %arg16: memref<10000xf32, #tpu.memory_space<vmem>>, %arg17: memref<10000xf32, #tpu.memory_space<vmem>>) attributes {dimension_semantics = [#tpu.dimension_semantics<core_parallel>, #tpu.dimension_semantics<subcore_parallel>], iteration_bounds = array<i64: 2, 16>, scalar_prefetch = 0 : i64, scratch_operands = 13 : i64, tpu.core_type = #tpu.core_type<sc_vector_subcore>, window_params = [{transform_indices = #map}, {transform_indices = #map1}, {transform_indices = #map1}]} {
    %mul3A = arith.constant 16 : i32
    %mul3A_0 = arith.muli %arg0, %mul3A : i32
    %add3A = arith.addi %mul3A_0, %arg1 : i32
    %broadcast_in_dim3A = arith.constant 0.000000e+00 : f32
    %broadcast_in_dim3A_1 = vector.broadcast %broadcast_in_dim3A : f32 to vector<16xf32>
    %scan3A = arith.constant 0 : i32
    %scan3A_2 = arith.constant 0 : i32
    %scan3A_3 = arith.constant 625 : i32
    %scan3A_4 = arith.addi %scan3A_2, %scan3A_3 : i32
    %scan3A_5 = arith.constant 1 : i32
    %scan3A_6 = scf.for %scan3A_74 = %scan3A_2 to %scan3A_4 step %scan3A_5 iter_args(%scan3A_75 = %scan3A) -> (i32)  : i32 {
      %mul3A_76 = arith.constant 16 : i32
      %mul3A_77 = arith.muli %scan3A_74, %mul3A_76 : i32
      %swap3A = arith.index_cast %mul3A_77 : i32 to index
      %swap3A_78 = tpu.vector_load %arg12[%swap3A] {strides = array<i32>} : memref<10000xf32, #tpu.memory_space<vmem>>, vector<16xf32>,
      tpu.vector_store %arg12[%swap3A], %broadcast_in_dim3A_1 {strides = array<i32>} : memref<10000xf32, #tpu.memory_space<vmem>>, vector<16xf32>,
      %mul3A_79 = arith.constant 16 : i32
      %mul3A_80 = arith.muli %scan3A_74, %mul3A_79 : i32
      %swap3A_81 = arith.index_cast %mul3A_80 : i32 to index
      %swap3A_82 = tpu.vector_load %arg13[%swap3A_81] {strides = array<i32>} : memref<10000xf32, #tpu.memory_space<vmem>>, vector<16xf32>,
      tpu.vector_store %arg13[%swap3A_81], %broadcast_in_dim3A_1 {strides = array<i32>} : memref<10000xf32, #tpu.memory_space<vmem>>, vector<16xf32>,
      %mul3A_83 = arith.constant 16 : i32
      %mul3A_84 = arith.muli %scan3A_74, %mul3A_83 : i32
      %swap3A_85 = arith.index_cast %mul3A_84 : i32 to index
      %swap3A_86 = tpu.vector_load %arg14[%swap3A_85] {strides = array<i32>} : memref<10000xf32, #tpu.memory_space<vmem>>, vector<16xf32>,
      tpu.vector_store %arg14[%swap3A_85], %broadcast_in_dim3A_1 {strides = array<i32>} : memref<10000xf32, #tpu.memory_space<vmem>>, vector<16xf32>,
      %mul3A_87 = arith.constant 16 : i32
      %mul3A_88 = arith.muli %scan3A_74, %mul3A_87 : i32
      %swap3A_89 = arith.index_cast %mul3A_88 : i32 to index
      %swap3A_90 = tpu.vector_load %arg15[%swap3A_89] {strides = array<i32>} : memref<10000xf32, #tpu.memory_space<vmem>>, vector<16xf32>,
      tpu.vector_store %arg15[%swap3A_89], %broadcast_in_dim3A_1 {strides = array<i32>} : memref<10000xf32, #tpu.memory_space<vmem>>, vector<16xf32>,
      %mul3A_91 = arith.constant 16 : i32
      %mul3A_92 = arith.muli %scan3A_74, %mul3A_91 : i32
      %swap3A_93 = arith.index_cast %mul3A_92 : i32 to index
      %swap3A_94 = tpu.vector_load %arg16[%swap3A_93] {strides = array<i32>} : memref<10000xf32, #tpu.memory_space<vmem>>, vector<16xf32>,
      tpu.vector_store %arg16[%swap3A_93], %broadcast_in_dim3A_1 {strides = array<i32>} : memref<10000xf32, #tpu.memory_space<vmem>>, vector<16xf32>,
      %mul3A_95 = arith.constant 16 : i32
      %mul3A_96 = arith.muli %scan3A_74, %mul3A_95 : i32
      %swap3A_97 = arith.index_cast %mul3A_96 : i32 to index
      %swap3A_98 = tpu.vector_load %arg17[%swap3A_97] {strides = array<i32>} : memref<10000xf32, #tpu.memory_space<vmem>>, vector<16xf32>,
      tpu.vector_store %arg17[%swap3A_97], %broadcast_in_dim3A_1 {strides = array<i32>} : memref<10000xf32, #tpu.memory_space<vmem>>, vector<16xf32>,
      %scan3A_99 = arith.constant 0 : i32
      scf.yield %scan3A_99 : i32
    }
    %scan3A_7 = arith.constant 625 : i32
    %mul3A_8 = arith.constant 6 : i32
    %mul3A_9 = arith.muli %add3A, %mul3A_8 : i32
    %add3A_10 = arith.constant 0 : i32
    %add3A_11 = arith.addi %mul3A_9, %add3A_10 : i32
    %run_scoped3A = arith.constant 0 : i32
    "tpu.region"() ({
      %run_scoped3A_74 = tpu.sem_alloc : memref<!tpu.dma_semaphore, #tpu.memory_space<semaphore_mem>>
      %dma_start3A = arith.constant 0 : i32
      %dma_start3A_75 = tpu.memref_slice %arg3[%add3A_11, %run_scoped3A, %dma_start3A] : memref<192x1x10000xf32, #tpu.memory_space<hbm>> -> memref<1x1x10000xf32, #tpu.memory_space<hbm>>
      %dma_start3A_76 = tpu.memref_squeeze %dma_start3A_75 : memref<1x1x10000xf32, #tpu.memory_space<hbm>> -> memref<10000xf32, #tpu.memory_space<hbm>>
      %dma_start3A_77 = arith.constant 0 : i32
      %dma_start3A_78 = tpu.memref_slice %arg3[%add3A_11, %run_scoped3A, %dma_start3A_77] : memref<192x1x10000xf32, #tpu.memory_space<hbm>> -> memref<1x1x10000xf32, #tpu.memory_space<hbm>>
      %dma_start3A_79 = tpu.memref_squeeze %dma_start3A_78 : memref<1x1x10000xf32, #tpu.memory_space<hbm>> -> memref<10000xf32, #tpu.memory_space<hbm>>
      tpu.enqueue_dma source(%dma_start3A_79 : memref<10000xf32, #tpu.memory_space<hbm>>) target(%arg6 : memref<10000xf32, #tpu.memory_space<vmem>>) target_semaphore(%run_scoped3A_74 : memref<!tpu.dma_semaphore, #tpu.memory_space<semaphore_mem>>)
      %dma_wait3A = arith.constant 0 : i32
      %dma_wait3A_80 = tpu.memref_slice %arg3[%add3A_11, %run_scoped3A, %dma_wait3A] : memref<192x1x10000xf32, #tpu.memory_space<hbm>> -> memref<1x1x10000xf32, #tpu.memory_space<hbm>>
      %dma_wait3A_81 = tpu.memref_squeeze %dma_wait3A_80 : memref<1x1x10000xf32, #tpu.memory_space<hbm>> -> memref<10000xf32, #tpu.memory_space<hbm>>
      %dma_wait3A_82 = arith.constant 0 : i32
      %dma_wait3A_83 = tpu.memref_slice %arg3[%add3A_11, %run_scoped3A, %dma_wait3A_82] : memref<192x1x10000xf32, #tpu.memory_space<hbm>> -> memref<1x1x10000xf32, #tpu.memory_space<hbm>>
      %dma_wait3A_84 = tpu.memref_squeeze %dma_wait3A_83 : memref<1x1x10000xf32, #tpu.memory_space<hbm>> -> memref<10000xf32, #tpu.memory_space<hbm>>
      tpu.wait_dma2 semaphore(%run_scoped3A_74 : memref<!tpu.dma_semaphore, #tpu.memory_space<semaphore_mem>>) src(%dma_wait3A_84 : memref<10000xf32, #tpu.memory_space<hbm>>) dst(%arg6 : memref<10000xf32, #tpu.memory_space<vmem>>)
      tpu.yield
    }) : () -> ()
    %mul3A_12 = arith.constant 6 : i32
    %mul3A_13 = arith.muli %add3A, %mul3A_12 : i32
    %add3A_14 = arith.constant 1 : i32
    %add3A_15 = arith.addi %mul3A_13, %add3A_14 : i32
    %run_scoped3A_16 = arith.constant 0 : i32
    "tpu.region"() ({
      %run_scoped3A_74 = tpu.sem_alloc : memref<!tpu.dma_semaphore, #tpu.memory_space<semaphore_mem>>
      %dma_start3A = arith.constant 0 : i32
      %dma_start3A_75 = tpu.memref_slice %arg3[%add3A_15, %run_scoped3A_16, %dma_start3A] : memref<192x1x10000xf32, #tpu.memory_space<hbm>> -> memref<1x1x10000xf32, #tpu.memory_space<hbm>>
      %dma_start3A_76 = tpu.memref_squeeze %dma_start3A_75 : memref<1x1x10000xf32, #tpu.memory_space<hbm>> -> memref<10000xf32, #tpu.memory_space<hbm>>
      %dma_start3A_77 = arith.constant 0 : i32
      %dma_start3A_78 = tpu.memref_slice %arg3[%add3A_15, %run_scoped3A_16, %dma_start3A_77] : memref<192x1x10000xf32, #tpu.memory_space<hbm>> -> memref<1x1x10000xf32, #tpu.memory_space<hbm>>
      %dma_start3A_79 = tpu.memref_squeeze %dma_start3A_78 : memref<1x1x10000xf32, #tpu.memory_space<hbm>> -> memref<10000xf32, #tpu.memory_space<hbm>>
      tpu.enqueue_dma source(%dma_start3A_79 : memref<10000xf32, #tpu.memory_space<hbm>>) target(%arg7 : memref<10000xf32, #tpu.memory_space<vmem>>) target_semaphore(%run_scoped3A_74 : memref<!tpu.dma_semaphore, #tpu.memory_space<semaphore_mem>>)
      %dma_wait3A = arith.constant 0 : i32
      %dma_wait3A_80 = tpu.memref_slice %arg3[%add3A_15, %run_scoped3A_16, %dma_wait3A] : memref<192x1x10000xf32, #tpu.memory_space<hbm>> -> memref<1x1x10000xf32, #tpu.memory_space<hbm>>
      %dma_wait3A_81 = tpu.memref_squeeze %dma_wait3A_80 : memref<1x1x10000xf32, #tpu.memory_space<hbm>> -> memref<10000xf32, #tpu.memory_space<hbm>>
      %dma_wait3A_82 = arith.constant 0 : i32
      %dma_wait3A_83 = tpu.memref_slice %arg3[%add3A_15, %run_scoped3A_16, %dma_wait3A_82] : memref<192x1x10000xf32, #tpu.memory_space<hbm>> -> memref<1x1x10000xf32, #tpu.memory_space<hbm>>
      %dma_wait3A_84 = tpu.memref_squeeze %dma_wait3A_83 : memref<1x1x10000xf32, #tpu.memory_space<hbm>> -> memref<10000xf32, #tpu.memory_space<hbm>>
      tpu.wait_dma2 semaphore(%run_scoped3A_74 : memref<!tpu.dma_semaphore, #tpu.memory_space<semaphore_mem>>) src(%dma_wait3A_84 : memref<10000xf32, #tpu.memory_space<hbm>>) dst(%arg7 : memref<10000xf32, #tpu.memory_space<vmem>>)
      tpu.yield
    }) : () -> ()
    %mul3A_17 = arith.constant 6 : i32
    %mul3A_18 = arith.muli %add3A, %mul3A_17 : i32
    %add3A_19 = arith.constant 2 : i32
    %add3A_20 = arith.addi %mul3A_18, %add3A_19 : i32
    %run_scoped3A_21 = arith.constant 0 : i32
    "tpu.region"() ({
      %run_scoped3A_74 = tpu.sem_alloc : memref<!tpu.dma_semaphore, #tpu.memory_space<semaphore_mem>>
      %dma_start3A = arith.constant 0 : i32
      %dma_start3A_75 = tpu.memref_slice %arg3[%add3A_20, %run_scoped3A_21, %dma_start3A] : memref<192x1x10000xf32, #tpu.memory_space<hbm>> -> memref<1x1x10000xf32, #tpu.memory_space<hbm>>
      %dma_start3A_76 = tpu.memref_squeeze %dma_start3A_75 : memref<1x1x10000xf32, #tpu.memory_space<hbm>> -> memref<10000xf32, #tpu.memory_space<hbm>>
      %dma_start3A_77 = arith.constant 0 : i32
      %dma_start3A_78 = tpu.memref_slice %arg3[%add3A_20, %run_scoped3A_21, %dma_start3A_77] : memref<192x1x10000xf32, #tpu.memory_space<hbm>> -> memref<1x1x10000xf32, #tpu.memory_space<hbm>>
      %dma_start3A_79 = tpu.memref_squeeze %dma_start3A_78 : memref<1x1x10000xf32, #tpu.memory_space<hbm>> -> memref<10000xf32, #tpu.memory_space<hbm>>
      tpu.enqueue_dma source(%dma_start3A_79 : memref<10000xf32, #tpu.memory_space<hbm>>) target(%arg8 : memref<10000xf32, #tpu.memory_space<vmem>>) target_semaphore(%run_scoped3A_74 : memref<!tpu.dma_semaphore, #tpu.memory_space<semaphore_mem>>)
      %dma_wait3A = arith.constant 0 : i32
      %dma_wait3A_80 = tpu.memref_slice %arg3[%add3A_20, %run_scoped3A_21, %dma_wait3A] : memref<192x1x10000xf32, #tpu.memory_space<hbm>> -> memref<1x1x10000xf32, #tpu.memory_space<hbm>>
      %dma_wait3A_81 = tpu.memref_squeeze %dma_wait3A_80 : memref<1x1x10000xf32, #tpu.memory_space<hbm>> -> memref<10000xf32, #tpu.memory_space<hbm>>
      %dma_wait3A_82 = arith.constant 0 : i32
      %dma_wait3A_83 = tpu.memref_slice %arg3[%add3A_20, %run_scoped3A_21, %dma_wait3A_82] : memref<192x1x10000xf32, #tpu.memory_space<hbm>> -> memref<1x1x10000xf32, #tpu.memory_space<hbm>>
      %dma_wait3A_84 = tpu.memref_squeeze %dma_wait3A_83 : memref<1x1x10000xf32, #tpu.memory_space<hbm>> -> memref<10000xf32, #tpu.memory_space<hbm>>
      tpu.wait_dma2 semaphore(%run_scoped3A_74 : memref<!tpu.dma_semaphore, #tpu.memory_space<semaphore_mem>>) src(%dma_wait3A_84 : memref<10000xf32, #tpu.memory_space<hbm>>) dst(%arg8 : memref<10000xf32, #tpu.memory_space<vmem>>)
      tpu.yield
    }) : () -> ()
    %mul3A_22 = arith.constant 6 : i32
    %mul3A_23 = arith.muli %add3A, %mul3A_22 : i32
    %add3A_24 = arith.constant 3 : i32
    %add3A_25 = arith.addi %mul3A_23, %add3A_24 : i32
    %run_scoped3A_26 = arith.constant 0 : i32
    "tpu.region"() ({
      %run_scoped3A_74 = tpu.sem_alloc : memref<!tpu.dma_semaphore, #tpu.memory_space<semaphore_mem>>
      %dma_start3A = arith.constant 0 : i32
      %dma_start3A_75 = tpu.memref_slice %arg3[%add3A_25, %run_scoped3A_26, %dma_start3A] : memref<192x1x10000xf32, #tpu.memory_space<hbm>> -> memref<1x1x10000xf32, #tpu.memory_space<hbm>>
      %dma_start3A_76 = tpu.memref_squeeze %dma_start3A_75 : memref<1x1x10000xf32, #tpu.memory_space<hbm>> -> memref<10000xf32, #tpu.memory_space<hbm>>
      %dma_start3A_77 = arith.constant 0 : i32
      %dma_start3A_78 = tpu.memref_slice %arg3[%add3A_25, %run_scoped3A_26, %dma_start3A_77] : memref<192x1x10000xf32, #tpu.memory_space<hbm>> -> memref<1x1x10000xf32, #tpu.memory_space<hbm>>
      %dma_start3A_79 = tpu.memref_squeeze %dma_start3A_78 : memref<1x1x10000xf32, #tpu.memory_space<hbm>> -> memref<10000xf32, #tpu.memory_space<hbm>>
      tpu.enqueue_dma source(%dma_start3A_79 : memref<10000xf32, #tpu.memory_space<hbm>>) target(%arg9 : memref<10000xf32, #tpu.memory_space<vmem>>) target_semaphore(%run_scoped3A_74 : memref<!tpu.dma_semaphore, #tpu.memory_space<semaphore_mem>>)
      %dma_wait3A = arith.constant 0 : i32
      %dma_wait3A_80 = tpu.memref_slice %arg3[%add3A_25, %run_scoped3A_26, %dma_wait3A] : memref<192x1x10000xf32, #tpu.memory_space<hbm>> -> memref<1x1x10000xf32, #tpu.memory_space<hbm>>
      %dma_wait3A_81 = tpu.memref_squeeze %dma_wait3A_80 : memref<1x1x10000xf32, #tpu.memory_space<hbm>> -> memref<10000xf32, #tpu.memory_space<hbm>>
      %dma_wait3A_82 = arith.constant 0 : i32
      %dma_wait3A_83 = tpu.memref_slice %arg3[%add3A_25, %run_scoped3A_26, %dma_wait3A_82] : memref<192x1x10000xf32, #tpu.memory_space<hbm>> -> memref<1x1x10000xf32, #tpu.memory_space<hbm>>
      %dma_wait3A_84 = tpu.memref_squeeze %dma_wait3A_83 : memref<1x1x10000xf32, #tpu.memory_space<hbm>> -> memref<10000xf32, #tpu.memory_space<hbm>>
      tpu.wait_dma2 semaphore(%run_scoped3A_74 : memref<!tpu.dma_semaphore, #tpu.memory_space<semaphore_mem>>) src(%dma_wait3A_84 : memref<10000xf32, #tpu.memory_space<hbm>>) dst(%arg9 : memref<10000xf32, #tpu.memory_space<vmem>>)
      tpu.yield
    }) : () -> ()
    %mul3A_27 = arith.constant 6 : i32
    %mul3A_28 = arith.muli %add3A, %mul3A_27 : i32
    %add3A_29 = arith.constant 4 : i32
    %add3A_30 = arith.addi %mul3A_28, %add3A_29 : i32
    %run_scoped3A_31 = arith.constant 0 : i32
    "tpu.region"() ({
      %run_scoped3A_74 = tpu.sem_alloc : memref<!tpu.dma_semaphore, #tpu.memory_space<semaphore_mem>>
      %dma_start3A = arith.constant 0 : i32
      %dma_start3A_75 = tpu.memref_slice %arg3[%add3A_30, %run_scoped3A_31, %dma_start3A] : memref<192x1x10000xf32, #tpu.memory_space<hbm>> -> memref<1x1x10000xf32, #tpu.memory_space<hbm>>
      %dma_start3A_76 = tpu.memref_squeeze %dma_start3A_75 : memref<1x1x10000xf32, #tpu.memory_space<hbm>> -> memref<10000xf32, #tpu.memory_space<hbm>>
      %dma_start3A_77 = arith.constant 0 : i32
      %dma_start3A_78 = tpu.memref_slice %arg3[%add3A_30, %run_scoped3A_31, %dma_start3A_77] : memref<192x1x10000xf32, #tpu.memory_space<hbm>> -> memref<1x1x10000xf32, #tpu.memory_space<hbm>>
      %dma_start3A_79 = tpu.memref_squeeze %dma_start3A_78 : memref<1x1x10000xf32, #tpu.memory_space<hbm>> -> memref<10000xf32, #tpu.memory_space<hbm>>
      tpu.enqueue_dma source(%dma_start3A_79 : memref<10000xf32, #tpu.memory_space<hbm>>) target(%arg10 : memref<10000xf32, #tpu.memory_space<vmem>>) target_semaphore(%run_scoped3A_74 : memref<!tpu.dma_semaphore, #tpu.memory_space<semaphore_mem>>)
      %dma_wait3A = arith.constant 0 : i32
      %dma_wait3A_80 = tpu.memref_slice %arg3[%add3A_30, %run_scoped3A_31, %dma_wait3A] : memref<192x1x10000xf32, #tpu.memory_space<hbm>> -> memref<1x1x10000xf32, #tpu.memory_space<hbm>>
      %dma_wait3A_81 = tpu.memref_squeeze %dma_wait3A_80 : memref<1x1x10000xf32, #tpu.memory_space<hbm>> -> memref<10000xf32, #tpu.memory_space<hbm>>
      %dma_wait3A_82 = arith.constant 0 : i32
      %dma_wait3A_83 = tpu.memref_slice %arg3[%add3A_30, %run_scoped3A_31, %dma_wait3A_82] : memref<192x1x10000xf32, #tpu.memory_space<hbm>> -> memref<1x1x10000xf32, #tpu.memory_space<hbm>>
      %dma_wait3A_84 = tpu.memref_squeeze %dma_wait3A_83 : memref<1x1x10000xf32, #tpu.memory_space<hbm>> -> memref<10000xf32, #tpu.memory_space<hbm>>
      tpu.wait_dma2 semaphore(%run_scoped3A_74 : memref<!tpu.dma_semaphore, #tpu.memory_space<semaphore_mem>>) src(%dma_wait3A_84 : memref<10000xf32, #tpu.memory_space<hbm>>) dst(%arg10 : memref<10000xf32, #tpu.memory_space<vmem>>)
      tpu.yield
    }) : () -> ()
    %mul3A_32 = arith.constant 6 : i32
    %mul3A_33 = arith.muli %add3A, %mul3A_32 : i32
    %add3A_34 = arith.constant 5 : i32
    %add3A_35 = arith.addi %mul3A_33, %add3A_34 : i32
    %run_scoped3A_36 = arith.constant 0 : i32
    "tpu.region"() ({
      %run_scoped3A_74 = tpu.sem_alloc : memref<!tpu.dma_semaphore, #tpu.memory_space<semaphore_mem>>
      %dma_start3A = arith.constant 0 : i32
      %dma_start3A_75 = tpu.memref_slice %arg3[%add3A_35, %run_scoped3A_36, %dma_start3A] : memref<192x1x10000xf32, #tpu.memory_space<hbm>> -> memref<1x1x10000xf32, #tpu.memory_space<hbm>>
      %dma_start3A_76 = tpu.memref_squeeze %dma_start3A_75 : memref<1x1x10000xf32, #tpu.memory_space<hbm>> -> memref<10000xf32, #tpu.memory_space<hbm>>
      %dma_start3A_77 = arith.constant 0 : i32
      %dma_start3A_78 = tpu.memref_slice %arg3[%add3A_35, %run_scoped3A_36, %dma_start3A_77] : memref<192x1x10000xf32, #tpu.memory_space<hbm>> -> memref<1x1x10000xf32, #tpu.memory_space<hbm>>
      %dma_start3A_79 = tpu.memref_squeeze %dma_start3A_78 : memref<1x1x10000xf32, #tpu.memory_space<hbm>> -> memref<10000xf32, #tpu.memory_space<hbm>>
      tpu.enqueue_dma source(%dma_start3A_79 : memref<10000xf32, #tpu.memory_space<hbm>>) target(%arg11 : memref<10000xf32, #tpu.memory_space<vmem>>) target_semaphore(%run_scoped3A_74 : memref<!tpu.dma_semaphore, #tpu.memory_space<semaphore_mem>>)
      %dma_wait3A = arith.constant 0 : i32
      %dma_wait3A_80 = tpu.memref_slice %arg3[%add3A_35, %run_scoped3A_36, %dma_wait3A] : memref<192x1x10000xf32, #tpu.memory_space<hbm>> -> memref<1x1x10000xf32, #tpu.memory_space<hbm>>
      %dma_wait3A_81 = tpu.memref_squeeze %dma_wait3A_80 : memref<1x1x10000xf32, #tpu.memory_space<hbm>> -> memref<10000xf32, #tpu.memory_space<hbm>>
      %dma_wait3A_82 = arith.constant 0 : i32
      %dma_wait3A_83 = tpu.memref_slice %arg3[%add3A_35, %run_scoped3A_36, %dma_wait3A_82] : memref<192x1x10000xf32, #tpu.memory_space<hbm>> -> memref<1x1x10000xf32, #tpu.memory_space<hbm>>
      %dma_wait3A_84 = tpu.memref_squeeze %dma_wait3A_83 : memref<1x1x10000xf32, #tpu.memory_space<hbm>> -> memref<10000xf32, #tpu.memory_space<hbm>>
      tpu.wait_dma2 semaphore(%run_scoped3A_74 : memref<!tpu.dma_semaphore, #tpu.memory_space<semaphore_mem>>) src(%dma_wait3A_84 : memref<10000xf32, #tpu.memory_space<hbm>>) dst(%arg11 : memref<10000xf32, #tpu.memory_space<vmem>>)
      tpu.yield
    }) : () -> ()
    %scan3A_37 = arith.constant 0 : i32
    %scan3A_38 = arith.constant 0 : i32
    %scan3A_39 = arith.constant 50 : i32
    %scan3A_40 = arith.addi %scan3A_38, %scan3A_39 : i32
    %scan3A_41 = arith.constant 1 : i32
    %scan3A_42 = scf.for %scan3A_74 = %scan3A_38 to %scan3A_40 step %scan3A_41 iter_args(%scan3A_75 = %scan3A_37) -> (i32)  : i32 {
      %mul3A_76 = arith.constant 6400 : i32
      %mul3A_77 = arith.muli %scan3A_74, %mul3A_76 : i32
      "tpu.region"() ({
        %run_scoped3A_86 = tpu.sem_alloc : memref<!tpu.dma_semaphore, #tpu.memory_space<semaphore_mem>>
        %dma_start3A = tpu.memref_slice %arg2[%mul3A_77] : memref<320000xi32, #tpu.memory_space<hbm>> -> memref<6400xi32, #tpu.memory_space<hbm>>
        %dma_start3A_87 = tpu.memref_slice %arg2[%mul3A_77] : memref<320000xi32, #tpu.memory_space<hbm>> -> memref<6400xi32, #tpu.memory_space<hbm>>
        tpu.enqueue_dma source(%dma_start3A_87 : memref<6400xi32, #tpu.memory_space<hbm>>) target(%arg5 : memref<6400xi32, #tpu.memory_space<vmem>>) target_semaphore(%run_scoped3A_86 : memref<!tpu.dma_semaphore, #tpu.memory_space<semaphore_mem>>)
        %dma_wait3A = tpu.memref_slice %arg2[%mul3A_77] : memref<320000xi32, #tpu.memory_space<hbm>> -> memref<6400xi32, #tpu.memory_space<hbm>>
        %dma_wait3A_88 = tpu.memref_slice %arg2[%mul3A_77] : memref<320000xi32, #tpu.memory_space<hbm>> -> memref<6400xi32, #tpu.memory_space<hbm>>
        tpu.wait_dma2 semaphore(%run_scoped3A_86 : memref<!tpu.dma_semaphore, #tpu.memory_space<semaphore_mem>>) src(%dma_wait3A_88 : memref<6400xi32, #tpu.memory_space<hbm>>) dst(%arg5 : memref<6400xi32, #tpu.memory_space<vmem>>)
        tpu.yield
      }) : () -> ()
      %scan3A_78 = arith.constant 0 : i32
      %scan3A_79 = arith.constant 0 : i32
      %scan3A_80 = arith.constant 100 : i32
      %scan3A_81 = arith.addi %scan3A_79, %scan3A_80 : i32
      %scan3A_82 = arith.constant 1 : i32
      %scan3A_83 = scf.for %scan3A_86 = %scan3A_79 to %scan3A_81 step %scan3A_82 iter_args(%scan3A_87 = %scan3A_78) -> (i32)  : i32 {
        %mul3A_88 = arith.constant 64 : i32
        %mul3A_89 = arith.muli %scan3A_86, %mul3A_88 : i32
        %add3A_90 = arith.constant 0 : i32
        %add3A_91 = arith.addi %mul3A_89, %add3A_90 : i32
        %get3A = arith.index_cast %add3A_91 : i32 to index
        %get3A_92 = tpu.vector_load %arg5[%get3A] {strides = array<i32>} : memref<6400xi32, #tpu.memory_space<vmem>>, vector<16xi32>,
        %shift_right_logical3A = arith.constant 14 : i32
        %shift_right_logical3A_93 = vector.broadcast %shift_right_logical3A : i32 to vector<16xi32>
        %shift_right_logical3A_94 = arith.shrui %get3A_92, %shift_right_logical3A_93 : vector<16xi32>
        %and3A = arith.constant 16383 : i32
        %and3A_95 = vector.broadcast %and3A : i32 to vector<16xi32>
        %and3A_96 = arith.andi %get3A_92, %and3A_95 : vector<16xi32>
        %gather3A = tpu.vector_load_idx %arg6[%and3A_96] : memref<10000xf32, #tpu.memory_space<vmem>>[vector<16xi32>], vector<16xf32>,
        %gather3A_97 = tpu.vector_load_idx %arg7[%and3A_96] : memref<10000xf32, #tpu.memory_space<vmem>>[vector<16xi32>], vector<16xf32>,
        %gather3A_98 = tpu.vector_load_idx %arg8[%and3A_96] : memref<10000xf32, #tpu.memory_space<vmem>>[vector<16xi32>], vector<16xf32>,
        %gather3A_99 = tpu.vector_load_idx %arg9[%and3A_96] : memref<10000xf32, #tpu.memory_space<vmem>>[vector<16xi32>], vector<16xf32>,
        %gather3A_100 = tpu.vector_load_idx %arg10[%and3A_96] : memref<10000xf32, #tpu.memory_space<vmem>>[vector<16xi32>], vector<16xf32>,
        %gather3A_101 = tpu.vector_load_idx %arg11[%and3A_96] : memref<10000xf32, #tpu.memory_space<vmem>>[vector<16xi32>], vector<16xf32>,
        tpu.vector_store_idx %arg12[%shift_right_logical3A_94], %gather3A {add = true} : memref<10000xf32, #tpu.memory_space<vmem>>[vector<16xi32>], vector<16xf32>,
        tpu.vector_store_idx %arg13[%shift_right_logical3A_94], %gather3A_97 {add = true} : memref<10000xf32, #tpu.memory_space<vmem>>[vector<16xi32>], vector<16xf32>,
        tpu.vector_store_idx %arg14[%shift_right_logical3A_94], %gather3A_98 {add = true} : memref<10000xf32, #tpu.memory_space<vmem>>[vector<16xi32>], vector<16xf32>,
        tpu.vector_store_idx %arg15[%shift_right_logical3A_94], %gather3A_99 {add = true} : memref<10000xf32, #tpu.memory_space<vmem>>[vector<16xi32>], vector<16xf32>,
        tpu.vector_store_idx %arg16[%shift_right_logical3A_94], %gather3A_100 {add = true} : memref<10000xf32, #tpu.memory_space<vmem>>[vector<16xi32>], vector<16xf32>,
        tpu.vector_store_idx %arg17[%shift_right_logical3A_94], %gather3A_101 {add = true} : memref<10000xf32, #tpu.memory_space<vmem>>[vector<16xi32>], vector<16xf32>,
        %mul3A_102 = arith.constant 64 : i32
        %mul3A_103 = arith.muli %scan3A_86, %mul3A_102 : i32
        %add3A_104 = arith.constant 16 : i32
        %add3A_105 = arith.addi %mul3A_103, %add3A_104 : i32
        %get3A_106 = arith.index_cast %add3A_105 : i32 to index
        %get3A_107 = tpu.vector_load %arg5[%get3A_106] {strides = array<i32>} : memref<6400xi32, #tpu.memory_space<vmem>>, vector<16xi32>,
        %shift_right_logical3A_108 = arith.constant 14 : i32
        %shift_right_logical3A_109 = vector.broadcast %shift_right_logical3A_108 : i32 to vector<16xi32>
        %shift_right_logical3A_110 = arith.shrui %get3A_107, %shift_right_logical3A_109 : vector<16xi32>
        %and3A_111 = arith.constant 16383 : i32
        %and3A_112 = vector.broadcast %and3A_111 : i32 to vector<16xi32>
        %and3A_113 = arith.andi %get3A_107, %and3A_112 : vector<16xi32>
        %gather3A_114 = tpu.vector_load_idx %arg6[%and3A_113] : memref<10000xf32, #tpu.memory_space<vmem>>[vector<16xi32>], vector<16xf32>,
        %gather3A_115 = tpu.vector_load_idx %arg7[%and3A_113] : memref<10000xf32, #tpu.memory_space<vmem>>[vector<16xi32>], vector<16xf32>,
        %gather3A_116 = tpu.vector_load_idx %arg8[%and3A_113] : memref<10000xf32, #tpu.memory_space<vmem>>[vector<16xi32>], vector<16xf32>,
        %gather3A_117 = tpu.vector_load_idx %arg9[%and3A_113] : memref<10000xf32, #tpu.memory_space<vmem>>[vector<16xi32>], vector<16xf32>,
        %gather3A_118 = tpu.vector_load_idx %arg10[%and3A_113] : memref<10000xf32, #tpu.memory_space<vmem>>[vector<16xi32>], vector<16xf32>,
        %gather3A_119 = tpu.vector_load_idx %arg11[%and3A_113] : memref<10000xf32, #tpu.memory_space<vmem>>[vector<16xi32>], vector<16xf32>,
        tpu.vector_store_idx %arg12[%shift_right_logical3A_110], %gather3A_114 {add = true} : memref<10000xf32, #tpu.memory_space<vmem>>[vector<16xi32>], vector<16xf32>,
        tpu.vector_store_idx %arg13[%shift_right_logical3A_110], %gather3A_115 {add = true} : memref<10000xf32, #tpu.memory_space<vmem>>[vector<16xi32>], vector<16xf32>,
        tpu.vector_store_idx %arg14[%shift_right_logical3A_110], %gather3A_116 {add = true} : memref<10000xf32, #tpu.memory_space<vmem>>[vector<16xi32>], vector<16xf32>,
        tpu.vector_store_idx %arg15[%shift_right_logical3A_110], %gather3A_117 {add = true} : memref<10000xf32, #tpu.memory_space<vmem>>[vector<16xi32>], vector<16xf32>,
        tpu.vector_store_idx %arg16[%shift_right_logical3A_110], %gather3A_118 {add = true} : memref<10000xf32, #tpu.memory_space<vmem>>[vector<16xi32>], vector<16xf32>,
        tpu.vector_store_idx %arg17[%shift_right_logical3A_110], %gather3A_119 {add = true} : memref<10000xf32, #tpu.memory_space<vmem>>[vector<16xi32>], vector<16xf32>,
        %mul3A_120 = arith.constant 64 : i32
        %mul3A_121 = arith.muli %scan3A_86, %mul3A_120 : i32
        %add3A_122 = arith.constant 32 : i32
        %add3A_123 = arith.addi %mul3A_121, %add3A_122 : i32
        %get3A_124 = arith.index_cast %add3A_123 : i32 to index
        %get3A_125 = tpu.vector_load %arg5[%get3A_124] {strides = array<i32>} : memref<6400xi32, #tpu.memory_space<vmem>>, vector<16xi32>,
        %shift_right_logical3A_126 = arith.constant 14 : i32
        %shift_right_logical3A_127 = vector.broadcast %shift_right_logical3A_126 : i32 to vector<16xi32>
        %shift_right_logical3A_128 = arith.shrui %get3A_125, %shift_right_logical3A_127 : vector<16xi32>
        %and3A_129 = arith.constant 16383 : i32
        %and3A_130 = vector.broadcast %and3A_129 : i32 to vector<16xi32>
        %and3A_131 = arith.andi %get3A_125, %and3A_130 : vector<16xi32>
        %gather3A_132 = tpu.vector_load_idx %arg6[%and3A_131] : memref<10000xf32, #tpu.memory_space<vmem>>[vector<16xi32>], vector<16xf32>,
        %gather3A_133 = tpu.vector_load_idx %arg7[%and3A_131] : memref<10000xf32, #tpu.memory_space<vmem>>[vector<16xi32>], vector<16xf32>,
        %gather3A_134 = tpu.vector_load_idx %arg8[%and3A_131] : memref<10000xf32, #tpu.memory_space<vmem>>[vector<16xi32>], vector<16xf32>,
        %gather3A_135 = tpu.vector_load_idx %arg9[%and3A_131] : memref<10000xf32, #tpu.memory_space<vmem>>[vector<16xi32>], vector<16xf32>,
        %gather3A_136 = tpu.vector_load_idx %arg10[%and3A_131] : memref<10000xf32, #tpu.memory_space<vmem>>[vector<16xi32>], vector<16xf32>,
        %gather3A_137 = tpu.vector_load_idx %arg11[%and3A_131] : memref<10000xf32, #tpu.memory_space<vmem>>[vector<16xi32>], vector<16xf32>,
        tpu.vector_store_idx %arg12[%shift_right_logical3A_128], %gather3A_132 {add = true} : memref<10000xf32, #tpu.memory_space<vmem>>[vector<16xi32>], vector<16xf32>,
        tpu.vector_store_idx %arg13[%shift_right_logical3A_128], %gather3A_133 {add = true} : memref<10000xf32, #tpu.memory_space<vmem>>[vector<16xi32>], vector<16xf32>,
        tpu.vector_store_idx %arg14[%shift_right_logical3A_128], %gather3A_134 {add = true} : memref<10000xf32, #tpu.memory_space<vmem>>[vector<16xi32>], vector<16xf32>,
        tpu.vector_store_idx %arg15[%shift_right_logical3A_128], %gather3A_135 {add = true} : memref<10000xf32, #tpu.memory_space<vmem>>[vector<16xi32>], vector<16xf32>,
        tpu.vector_store_idx %arg16[%shift_right_logical3A_128], %gather3A_136 {add = true} : memref<10000xf32, #tpu.memory_space<vmem>>[vector<16xi32>], vector<16xf32>,
        tpu.vector_store_idx %arg17[%shift_right_logical3A_128], %gather3A_137 {add = true} : memref<10000xf32, #tpu.memory_space<vmem>>[vector<16xi32>], vector<16xf32>,
        %mul3A_138 = arith.constant 64 : i32
        %mul3A_139 = arith.muli %scan3A_86, %mul3A_138 : i32
        %add3A_140 = arith.constant 48 : i32
        %add3A_141 = arith.addi %mul3A_139, %add3A_140 : i32
        %get3A_142 = arith.index_cast %add3A_141 : i32 to index
        %get3A_143 = tpu.vector_load %arg5[%get3A_142] {strides = array<i32>} : memref<6400xi32, #tpu.memory_space<vmem>>, vector<16xi32>,
        %shift_right_logical3A_144 = arith.constant 14 : i32
        %shift_right_logical3A_145 = vector.broadcast %shift_right_logical3A_144 : i32 to vector<16xi32>
        %shift_right_logical3A_146 = arith.shrui %get3A_143, %shift_right_logical3A_145 : vector<16xi32>
        %and3A_147 = arith.constant 16383 : i32
        %and3A_148 = vector.broadcast %and3A_147 : i32 to vector<16xi32>
        %and3A_149 = arith.andi %get3A_143, %and3A_148 : vector<16xi32>
        %gather3A_150 = tpu.vector_load_idx %arg6[%and3A_149] : memref<10000xf32, #tpu.memory_space<vmem>>[vector<16xi32>], vector<16xf32>,
        %gather3A_151 = tpu.vector_load_idx %arg7[%and3A_149] : memref<10000xf32, #tpu.memory_space<vmem>>[vector<16xi32>], vector<16xf32>,
        %gather3A_152 = tpu.vector_load_idx %arg8[%and3A_149] : memref<10000xf32, #tpu.memory_space<vmem>>[vector<16xi32>], vector<16xf32>,
        %gather3A_153 = tpu.vector_load_idx %arg9[%and3A_149] : memref<10000xf32, #tpu.memory_space<vmem>>[vector<16xi32>], vector<16xf32>,
        %gather3A_154 = tpu.vector_load_idx %arg10[%and3A_149] : memref<10000xf32, #tpu.memory_space<vmem>>[vector<16xi32>], vector<16xf32>,
        %gather3A_155 = tpu.vector_load_idx %arg11[%and3A_149] : memref<10000xf32, #tpu.memory_space<vmem>>[vector<16xi32>], vector<16xf32>,
        tpu.vector_store_idx %arg12[%shift_right_logical3A_146], %gather3A_150 {add = true} : memref<10000xf32, #tpu.memory_space<vmem>>[vector<16xi32>], vector<16xf32>,
        tpu.vector_store_idx %arg13[%shift_right_logical3A_146], %gather3A_151 {add = true} : memref<10000xf32, #tpu.memory_space<vmem>>[vector<16xi32>], vector<16xf32>,
        tpu.vector_store_idx %arg14[%shift_right_logical3A_146], %gather3A_152 {add = true} : memref<10000xf32, #tpu.memory_space<vmem>>[vector<16xi32>], vector<16xf32>,
        tpu.vector_store_idx %arg15[%shift_right_logical3A_146], %gather3A_153 {add = true} : memref<10000xf32, #tpu.memory_space<vmem>>[vector<16xi32>], vector<16xf32>,
        tpu.vector_store_idx %arg16[%shift_right_logical3A_146], %gather3A_154 {add = true} : memref<10000xf32, #tpu.memory_space<vmem>>[vector<16xi32>], vector<16xf32>,
        tpu.vector_store_idx %arg17[%shift_right_logical3A_146], %gather3A_155 {add = true} : memref<10000xf32, #tpu.memory_space<vmem>>[vector<16xi32>], vector<16xf32>,
        %scan3A_156 = arith.constant 0 : i32
        scf.yield %scan3A_156 : i32
      }
      %scan3A_84 = arith.constant 100 : i32
      %scan3A_85 = arith.constant 0 : i32
      scf.yield %scan3A_85 : i32
    }
    %scan3A_43 = arith.constant 50 : i32
    %mul3A_44 = arith.constant 6 : i32
    %mul3A_45 = arith.muli %add3A, %mul3A_44 : i32
    %add3A_46 = arith.constant 0 : i32
    %add3A_47 = arith.addi %mul3A_45, %add3A_46 : i32
    %run_scoped3A_48 = arith.constant 0 : i32
    "tpu.region"() ({
      %run_scoped3A_74 = tpu.sem_alloc : memref<!tpu.dma_semaphore, #tpu.memory_space<semaphore_mem>>
      %dma_start3A = arith.constant 0 : i32
      %dma_start3A_75 = tpu.memref_slice %arg4[%add3A_47, %run_scoped3A_48, %dma_start3A] : memref<192x1x10000xf32, #tpu.memory_space<hbm>> -> memref<1x1x10000xf32, #tpu.memory_space<hbm>>
      %dma_start3A_76 = tpu.memref_squeeze %dma_start3A_75 : memref<1x1x10000xf32, #tpu.memory_space<hbm>> -> memref<10000xf32, #tpu.memory_space<hbm>>
      %dma_start3A_77 = arith.constant 0 : i32
      %dma_start3A_78 = tpu.memref_slice %arg4[%add3A_47, %run_scoped3A_48, %dma_start3A_77] : memref<192x1x10000xf32, #tpu.memory_space<hbm>> -> memref<1x1x10000xf32, #tpu.memory_space<hbm>>
      %dma_start3A_79 = tpu.memref_squeeze %dma_start3A_78 : memref<1x1x10000xf32, #tpu.memory_space<hbm>> -> memref<10000xf32, #tpu.memory_space<hbm>>
      tpu.enqueue_dma source(%arg12 : memref<10000xf32, #tpu.memory_space<vmem>>) target(%dma_start3A_79 : memref<10000xf32, #tpu.memory_space<hbm>>) target_semaphore(%run_scoped3A_74 : memref<!tpu.dma_semaphore, #tpu.memory_space<semaphore_mem>>)
      %dma_wait3A = arith.constant 0 : i32
      %dma_wait3A_80 = tpu.memref_slice %arg4[%add3A_47, %run_scoped3A_48, %dma_wait3A] : memref<192x1x10000xf32, #tpu.memory_space<hbm>> -> memref<1x1x10000xf32, #tpu.memory_space<hbm>>
      %dma_wait3A_81 = tpu.memref_squeeze %dma_wait3A_80 : memref<1x1x10000xf32, #tpu.memory_space<hbm>> -> memref<10000xf32, #tpu.memory_space<hbm>>
      %dma_wait3A_82 = arith.constant 0 : i32
      %dma_wait3A_83 = tpu.memref_slice %arg4[%add3A_47, %run_scoped3A_48, %dma_wait3A_82] : memref<192x1x10000xf32, #tpu.memory_space<hbm>> -> memref<1x1x10000xf32, #tpu.memory_space<hbm>>
      %dma_wait3A_84 = tpu.memref_squeeze %dma_wait3A_83 : memref<1x1x10000xf32, #tpu.memory_space<hbm>> -> memref<10000xf32, #tpu.memory_space<hbm>>
      tpu.wait_dma2 semaphore(%run_scoped3A_74 : memref<!tpu.dma_semaphore, #tpu.memory_space<semaphore_mem>>) src(%arg12 : memref<10000xf32, #tpu.memory_space<vmem>>) dst(%dma_wait3A_84 : memref<10000xf32, #tpu.memory_space<hbm>>)
      tpu.yield
    }) : () -> ()
    %mul3A_49 = arith.constant 6 : i32
    %mul3A_50 = arith.muli %add3A, %mul3A_49 : i32
    %add3A_51 = arith.constant 1 : i32
    %add3A_52 = arith.addi %mul3A_50, %add3A_51 : i32
    %run_scoped3A_53 = arith.constant 0 : i32
    "tpu.region"() ({
      %run_scoped3A_74 = tpu.sem_alloc : memref<!tpu.dma_semaphore, #tpu.memory_space<semaphore_mem>>
      %dma_start3A = arith.constant 0 : i32
      %dma_start3A_75 = tpu.memref_slice %arg4[%add3A_52, %run_scoped3A_53, %dma_start3A] : memref<192x1x10000xf32, #tpu.memory_space<hbm>> -> memref<1x1x10000xf32, #tpu.memory_space<hbm>>
      %dma_start3A_76 = tpu.memref_squeeze %dma_start3A_75 : memref<1x1x10000xf32, #tpu.memory_space<hbm>> -> memref<10000xf32, #tpu.memory_space<hbm>>
      %dma_start3A_77 = arith.constant 0 : i32
      %dma_start3A_78 = tpu.memref_slice %arg4[%add3A_52, %run_scoped3A_53, %dma_start3A_77] : memref<192x1x10000xf32, #tpu.memory_space<hbm>> -> memref<1x1x10000xf32, #tpu.memory_space<hbm>>
      %dma_start3A_79 = tpu.memref_squeeze %dma_start3A_78 : memref<1x1x10000xf32, #tpu.memory_space<hbm>> -> memref<10000xf32, #tpu.memory_space<hbm>>
      tpu.enqueue_dma source(%arg13 : memref<10000xf32, #tpu.memory_space<vmem>>) target(%dma_start3A_79 : memref<10000xf32, #tpu.memory_space<hbm>>) target_semaphore(%run_scoped3A_74 : memref<!tpu.dma_semaphore, #tpu.memory_space<semaphore_mem>>)
      %dma_wait3A = arith.constant 0 : i32
      %dma_wait3A_80 = tpu.memref_slice %arg4[%add3A_52, %run_scoped3A_53, %dma_wait3A] : memref<192x1x10000xf32, #tpu.memory_space<hbm>> -> memref<1x1x10000xf32, #tpu.memory_space<hbm>>
      %dma_wait3A_81 = tpu.memref_squeeze %dma_wait3A_80 : memref<1x1x10000xf32, #tpu.memory_space<hbm>> -> memref<10000xf32, #tpu.memory_space<hbm>>
      %dma_wait3A_82 = arith.constant 0 : i32
      %dma_wait3A_83 = tpu.memref_slice %arg4[%add3A_52, %run_scoped3A_53, %dma_wait3A_82] : memref<192x1x10000xf32, #tpu.memory_space<hbm>> -> memref<1x1x10000xf32, #tpu.memory_space<hbm>>
      %dma_wait3A_84 = tpu.memref_squeeze %dma_wait3A_83 : memref<1x1x10000xf32, #tpu.memory_space<hbm>> -> memref<10000xf32, #tpu.memory_space<hbm>>
      tpu.wait_dma2 semaphore(%run_scoped3A_74 : memref<!tpu.dma_semaphore, #tpu.memory_space<semaphore_mem>>) src(%arg13 : memref<10000xf32, #tpu.memory_space<vmem>>) dst(%dma_wait3A_84 : memref<10000xf32, #tpu.memory_space<hbm>>)
      tpu.yield
    }) : () -> ()
    %mul3A_54 = arith.constant 6 : i32
    %mul3A_55 = arith.muli %add3A, %mul3A_54 : i32
    %add3A_56 = arith.constant 2 : i32
    %add3A_57 = arith.addi %mul3A_55, %add3A_56 : i32
    %run_scoped3A_58 = arith.constant 0 : i32
    "tpu.region"() ({
      %run_scoped3A_74 = tpu.sem_alloc : memref<!tpu.dma_semaphore, #tpu.memory_space<semaphore_mem>>
      %dma_start3A = arith.constant 0 : i32
      %dma_start3A_75 = tpu.memref_slice %arg4[%add3A_57, %run_scoped3A_58, %dma_start3A] : memref<192x1x10000xf32, #tpu.memory_space<hbm>> -> memref<1x1x10000xf32, #tpu.memory_space<hbm>>
      %dma_start3A_76 = tpu.memref_squeeze %dma_start3A_75 : memref<1x1x10000xf32, #tpu.memory_space<hbm>> -> memref<10000xf32, #tpu.memory_space<hbm>>
      %dma_start3A_77 = arith.constant 0 : i32
      %dma_start3A_78 = tpu.memref_slice %arg4[%add3A_57, %run_scoped3A_58, %dma_start3A_77] : memref<192x1x10000xf32, #tpu.memory_space<hbm>> -> memref<1x1x10000xf32, #tpu.memory_space<hbm>>
      %dma_start3A_79 = tpu.memref_squeeze %dma_start3A_78 : memref<1x1x10000xf32, #tpu.memory_space<hbm>> -> memref<10000xf32, #tpu.memory_space<hbm>>
      tpu.enqueue_dma source(%arg14 : memref<10000xf32, #tpu.memory_space<vmem>>) target(%dma_start3A_79 : memref<10000xf32, #tpu.memory_space<hbm>>) target_semaphore(%run_scoped3A_74 : memref<!tpu.dma_semaphore, #tpu.memory_space<semaphore_mem>>)
      %dma_wait3A = arith.constant 0 : i32
      %dma_wait3A_80 = tpu.memref_slice %arg4[%add3A_57, %run_scoped3A_58, %dma_wait3A] : memref<192x1x10000xf32, #tpu.memory_space<hbm>> -> memref<1x1x10000xf32, #tpu.memory_space<hbm>>
      %dma_wait3A_81 = tpu.memref_squeeze %dma_wait3A_80 : memref<1x1x10000xf32, #tpu.memory_space<hbm>> -> memref<10000xf32, #tpu.memory_space<hbm>>
      %dma_wait3A_82 = arith.constant 0 : i32
      %dma_wait3A_83 = tpu.memref_slice %arg4[%add3A_57, %run_scoped3A_58, %dma_wait3A_82] : memref<192x1x10000xf32, #tpu.memory_space<hbm>> -> memref<1x1x10000xf32, #tpu.memory_space<hbm>>
      %dma_wait3A_84 = tpu.memref_squeeze %dma_wait3A_83 : memref<1x1x10000xf32, #tpu.memory_space<hbm>> -> memref<10000xf32, #tpu.memory_space<hbm>>
      tpu.wait_dma2 semaphore(%run_scoped3A_74 : memref<!tpu.dma_semaphore, #tpu.memory_space<semaphore_mem>>) src(%arg14 : memref<10000xf32, #tpu.memory_space<vmem>>) dst(%dma_wait3A_84 : memref<10000xf32, #tpu.memory_space<hbm>>)
      tpu.yield
    }) : () -> ()
    %mul3A_59 = arith.constant 6 : i32
    %mul3A_60 = arith.muli %add3A, %mul3A_59 : i32
    %add3A_61 = arith.constant 3 : i32
    %add3A_62 = arith.addi %mul3A_60, %add3A_61 : i32
    %run_scoped3A_63 = arith.constant 0 : i32
    "tpu.region"() ({
      %run_scoped3A_74 = tpu.sem_alloc : memref<!tpu.dma_semaphore, #tpu.memory_space<semaphore_mem>>
      %dma_start3A = arith.constant 0 : i32
      %dma_start3A_75 = tpu.memref_slice %arg4[%add3A_62, %run_scoped3A_63, %dma_start3A] : memref<192x1x10000xf32, #tpu.memory_space<hbm>> -> memref<1x1x10000xf32, #tpu.memory_space<hbm>>
      %dma_start3A_76 = tpu.memref_squeeze %dma_start3A_75 : memref<1x1x10000xf32, #tpu.memory_space<hbm>> -> memref<10000xf32, #tpu.memory_space<hbm>>
      %dma_start3A_77 = arith.constant 0 : i32
      %dma_start3A_78 = tpu.memref_slice %arg4[%add3A_62, %run_scoped3A_63, %dma_start3A_77] : memref<192x1x10000xf32, #tpu.memory_space<hbm>> -> memref<1x1x10000xf32, #tpu.memory_space<hbm>>
      %dma_start3A_79 = tpu.memref_squeeze %dma_start3A_78 : memref<1x1x10000xf32, #tpu.memory_space<hbm>> -> memref<10000xf32, #tpu.memory_space<hbm>>
      tpu.enqueue_dma source(%arg15 : memref<10000xf32, #tpu.memory_space<vmem>>) target(%dma_start3A_79 : memref<10000xf32, #tpu.memory_space<hbm>>) target_semaphore(%run_scoped3A_74 : memref<!tpu.dma_semaphore, #tpu.memory_space<semaphore_mem>>)
      %dma_wait3A = arith.constant 0 : i32
      %dma_wait3A_80 = tpu.memref_slice %arg4[%add3A_62, %run_scoped3A_63, %dma_wait3A] : memref<192x1x10000xf32, #tpu.memory_space<hbm>> -> memref<1x1x10000xf32, #tpu.memory_space<hbm>>
      %dma_wait3A_81 = tpu.memref_squeeze %dma_wait3A_80 : memref<1x1x10000xf32, #tpu.memory_space<hbm>> -> memref<10000xf32, #tpu.memory_space<hbm>>
      %dma_wait3A_82 = arith.constant 0 : i32
      %dma_wait3A_83 = tpu.memref_slice %arg4[%add3A_62, %run_scoped3A_63, %dma_wait3A_82] : memref<192x1x10000xf32, #tpu.memory_space<hbm>> -> memref<1x1x10000xf32, #tpu.memory_space<hbm>>
      %dma_wait3A_84 = tpu.memref_squeeze %dma_wait3A_83 : memref<1x1x10000xf32, #tpu.memory_space<hbm>> -> memref<10000xf32, #tpu.memory_space<hbm>>
      tpu.wait_dma2 semaphore(%run_scoped3A_74 : memref<!tpu.dma_semaphore, #tpu.memory_space<semaphore_mem>>) src(%arg15 : memref<10000xf32, #tpu.memory_space<vmem>>) dst(%dma_wait3A_84 : memref<10000xf32, #tpu.memory_space<hbm>>)
      tpu.yield
    }) : () -> ()
    %mul3A_64 = arith.constant 6 : i32
    %mul3A_65 = arith.muli %add3A, %mul3A_64 : i32
    %add3A_66 = arith.constant 4 : i32
    %add3A_67 = arith.addi %mul3A_65, %add3A_66 : i32
    %run_scoped3A_68 = arith.constant 0 : i32
    "tpu.region"() ({
      %run_scoped3A_74 = tpu.sem_alloc : memref<!tpu.dma_semaphore, #tpu.memory_space<semaphore_mem>>
      %dma_start3A = arith.constant 0 : i32
      %dma_start3A_75 = tpu.memref_slice %arg4[%add3A_67, %run_scoped3A_68, %dma_start3A] : memref<192x1x10000xf32, #tpu.memory_space<hbm>> -> memref<1x1x10000xf32, #tpu.memory_space<hbm>>
      %dma_start3A_76 = tpu.memref_squeeze %dma_start3A_75 : memref<1x1x10000xf32, #tpu.memory_space<hbm>> -> memref<10000xf32, #tpu.memory_space<hbm>>
      %dma_start3A_77 = arith.constant 0 : i32
      %dma_start3A_78 = tpu.memref_slice %arg4[%add3A_67, %run_scoped3A_68, %dma_start3A_77] : memref<192x1x10000xf32, #tpu.memory_space<hbm>> -> memref<1x1x10000xf32, #tpu.memory_space<hbm>>
      %dma_start3A_79 = tpu.memref_squeeze %dma_start3A_78 : memref<1x1x10000xf32, #tpu.memory_space<hbm>> -> memref<10000xf32, #tpu.memory_space<hbm>>
      tpu.enqueue_dma source(%arg16 : memref<10000xf32, #tpu.memory_space<vmem>>) target(%dma_start3A_79 : memref<10000xf32, #tpu.memory_space<hbm>>) target_semaphore(%run_scoped3A_74 : memref<!tpu.dma_semaphore, #tpu.memory_space<semaphore_mem>>)
      %dma_wait3A = arith.constant 0 : i32
      %dma_wait3A_80 = tpu.memref_slice %arg4[%add3A_67, %run_scoped3A_68, %dma_wait3A] : memref<192x1x10000xf32, #tpu.memory_space<hbm>> -> memref<1x1x10000xf32, #tpu.memory_space<hbm>>
      %dma_wait3A_81 = tpu.memref_squeeze %dma_wait3A_80 : memref<1x1x10000xf32, #tpu.memory_space<hbm>> -> memref<10000xf32, #tpu.memory_space<hbm>>
      %dma_wait3A_82 = arith.constant 0 : i32
      %dma_wait3A_83 = tpu.memref_slice %arg4[%add3A_67, %run_scoped3A_68, %dma_wait3A_82] : memref<192x1x10000xf32, #tpu.memory_space<hbm>> -> memref<1x1x10000xf32, #tpu.memory_space<hbm>>
      %dma_wait3A_84 = tpu.memref_squeeze %dma_wait3A_83 : memref<1x1x10000xf32, #tpu.memory_space<hbm>> -> memref<10000xf32, #tpu.memory_space<hbm>>
      tpu.wait_dma2 semaphore(%run_scoped3A_74 : memref<!tpu.dma_semaphore, #tpu.memory_space<semaphore_mem>>) src(%arg16 : memref<10000xf32, #tpu.memory_space<vmem>>) dst(%dma_wait3A_84 : memref<10000xf32, #tpu.memory_space<hbm>>)
      tpu.yield
    }) : () -> ()
    %mul3A_69 = arith.constant 6 : i32
    %mul3A_70 = arith.muli %add3A, %mul3A_69 : i32
    %add3A_71 = arith.constant 5 : i32
    %add3A_72 = arith.addi %mul3A_70, %add3A_71 : i32
    %run_scoped3A_73 = arith.constant 0 : i32
    "tpu.region"() ({
      %run_scoped3A_74 = tpu.sem_alloc : memref<!tpu.dma_semaphore, #tpu.memory_space<semaphore_mem>>
      %dma_start3A = arith.constant 0 : i32
      %dma_start3A_75 = tpu.memref_slice %arg4[%add3A_72, %run_scoped3A_73, %dma_start3A] : memref<192x1x10000xf32, #tpu.memory_space<hbm>> -> memref<1x1x10000xf32, #tpu.memory_space<hbm>>
      %dma_start3A_76 = tpu.memref_squeeze %dma_start3A_75 : memref<1x1x10000xf32, #tpu.memory_space<hbm>> -> memref<10000xf32, #tpu.memory_space<hbm>>
      %dma_start3A_77 = arith.constant 0 : i32
      %dma_start3A_78 = tpu.memref_slice %arg4[%add3A_72, %run_scoped3A_73, %dma_start3A_77] : memref<192x1x10000xf32, #tpu.memory_space<hbm>> -> memref<1x1x10000xf32, #tpu.memory_space<hbm>>
      %dma_start3A_79 = tpu.memref_squeeze %dma_start3A_78 : memref<1x1x10000xf32, #tpu.memory_space<hbm>> -> memref<10000xf32, #tpu.memory_space<hbm>>
      tpu.enqueue_dma source(%arg17 : memref<10000xf32, #tpu.memory_space<vmem>>) target(%dma_start3A_79 : memref<10000xf32, #tpu.memory_space<hbm>>) target_semaphore(%run_scoped3A_74 : memref<!tpu.dma_semaphore, #tpu.memory_space<semaphore_mem>>)
      %dma_wait3A = arith.constant 0 : i32
      %dma_wait3A_80 = tpu.memref_slice %arg4[%add3A_72, %run_scoped3A_73, %dma_wait3A] : memref<192x1x10000xf32, #tpu.memory_space<hbm>> -> memref<1x1x10000xf32, #tpu.memory_space<hbm>>
      %dma_wait3A_81 = tpu.memref_squeeze %dma_wait3A_80 : memref<1x1x10000xf32, #tpu.memory_space<hbm>> -> memref<10000xf32, #tpu.memory_space<hbm>>
      %dma_wait3A_82 = arith.constant 0 : i32
      %dma_wait3A_83 = tpu.memref_slice %arg4[%add3A_72, %run_scoped3A_73, %dma_wait3A_82] : memref<192x1x10000xf32, #tpu.memory_space<hbm>> -> memref<1x1x10000xf32, #tpu.memory_space<hbm>>
      %dma_wait3A_84 = tpu.memref_squeeze %dma_wait3A_83 : memref<1x1x10000xf32, #tpu.memory_space<hbm>> -> memref<10000xf32, #tpu.memory_space<hbm>>
      tpu.wait_dma2 semaphore(%run_scoped3A_74 : memref<!tpu.dma_semaphore, #tpu.memory_space<semaphore_mem>>) src(%arg17 : memref<10000xf32, #tpu.memory_space<vmem>>) dst(%dma_wait3A_84 : memref<10000xf32, #tpu.memory_space<hbm>>)
      tpu.yield
    }) : () -> ()
    return
  }
}

module attributes {stable_mosaic.version = 14 : i64} {
  func.func @_pack_body(%arg0: memref<2500x128xi32, #tpu.memory_space<vmem>>, %arg1: memref<2500x128xi32, #tpu.memory_space<vmem>>, %arg2: memref<2500x128xi32, #tpu.memory_space<vmem>>) attributes {dimension_semantics = [], scalar_prefetch = 0 : i64, scratch_operands = 0 : i64, tpu.core_type = #tpu.core_type<tc>} {
    %get3A = arith.constant 0 : index
    %get3A_0 = arith.constant 0 : index
    %get3A_1 = vector.load %arg0[%get3A, %get3A_0] : memref<2500x128xi32, #tpu.memory_space<vmem>>, vector<2500x128xi32>
    %mul3A = arith.constant 16384 : i32
    %mul3A_2 = vector.broadcast %mul3A : i32 to vector<2500x128xi32>
    %mul3A_3 = arith.muli %get3A_1, %mul3A_2 : vector<2500x128xi32>
    %get3A_4 = arith.constant 0 : index
    %get3A_5 = arith.constant 0 : index
    %get3A_6 = vector.load %arg1[%get3A_4, %get3A_5] : memref<2500x128xi32, #tpu.memory_space<vmem>>, vector<2500x128xi32>
    %add3A = arith.addi %mul3A_3, %get3A_6 : vector<2500x128xi32>
    %swap3A = arith.constant 0 : index
    %swap3A_7 = arith.constant 0 : index
    %swap3A_8 = vector.load %arg2[%swap3A, %swap3A_7] : memref<2500x128xi32, #tpu.memory_space<vmem>>, vector<2500x128xi32>
    tpu.vector_store %arg2[%swap3A, %swap3A_7], %add3A {strides = array<i32>} : memref<2500x128xi32, #tpu.memory_space<vmem>>, vector<2500x128xi32>,
    return
  }
}

module attributes {stable_mosaic.version = 14 : i64} {
  func.func @_scale_body(%arg0: i32, %arg1: memref<1000x128xf32, #tpu.memory_space<vmem>>, %arg2: memref<1000x64xf32, #tpu.memory_space<vmem>>, %arg3: memref<1000x1xf32, #tpu.memory_space<vmem>>, %arg4: memref<1000x128xf32, #tpu.memory_space<vmem>>, %arg5: memref<1000x64xf32, #tpu.memory_space<vmem>>) attributes {dimension_semantics = [#tpu.dimension_semantics<arbitrary>], iteration_bounds = array<i64: 10>, scalar_prefetch = 0 : i64, scratch_operands = 0 : i64, tpu.core_type = #tpu.core_type<tc>, window_params = [{transform_indices = @transform_0, window_bounds = array<i64: 1000, 128>}, {transform_indices = @transform_1, window_bounds = array<i64: 1000, 64>}, {transform_indices = @transform_2, window_bounds = array<i64: 1000, 1>}, {transform_indices = @transform_3, window_bounds = array<i64: 1000, 128>}, {transform_indices = @transform_4, window_bounds = array<i64: 1000, 64>}]} {
    %get3A = arith.constant 0 : index
    %get3A_0 = arith.constant 0 : index
    %get3A_1 = vector.load %arg3[%get3A, %get3A_0] : memref<1000x1xf32, #tpu.memory_space<vmem>>, vector<1000x1xf32>
    %gt3A = arith.constant 0.000000e+00 : f32
    %gt3A_2 = vector.broadcast %gt3A : f32 to vector<1000x1xf32>
    %gt3A_3 = arith.cmpf ogt, %get3A_1, %gt3A_2 : vector<1000x1xf32>
    %jit3A = arith.constant 1.000000e+00 : f32
    %broadcast_in_dim3A = vector.broadcast %jit3A : f32 to vector<1000x1xf32>
    %select_n3A = arith.select %gt3A_3, %get3A_1, %broadcast_in_dim3A : vector<1000x1xi1>, vector<1000x1xf32>
    %rsqrt3A = math.rsqrt %select_n3A : vector<1000x1xf32>
    %jit3A_4 = arith.constant 0.000000e+00 : f32
    %broadcast_in_dim3A_5 = vector.broadcast %jit3A_4 : f32 to vector<1000x1xf32>
    %select_n3A_6 = arith.select %gt3A_3, %rsqrt3A, %broadcast_in_dim3A_5 : vector<1000x1xi1>, vector<1000x1xf32>
    %get3A_7 = arith.constant 0 : index
    %get3A_8 = arith.constant 0 : index
    %get3A_9 = vector.load %arg1[%get3A_7, %get3A_8] : memref<1000x128xf32, #tpu.memory_space<vmem>>, vector<1000x128xf32>
    %mul3A = vector.broadcast %select_n3A_6 : vector<1000x1xf32> to vector<1000x128xf32>
    %mul3A_10 = arith.mulf %mul3A, %get3A_9 : vector<1000x128xf32>
    %swap3A = arith.constant 0 : index
    %swap3A_11 = arith.constant 0 : index
    %swap3A_12 = vector.load %arg4[%swap3A, %swap3A_11] : memref<1000x128xf32, #tpu.memory_space<vmem>>, vector<1000x128xf32>
    tpu.vector_store %arg4[%swap3A, %swap3A_11], %mul3A_10 {strides = array<i32>} : memref<1000x128xf32, #tpu.memory_space<vmem>>, vector<1000x128xf32>,
    %get3A_13 = arith.constant 0 : index
    %get3A_14 = arith.constant 0 : index
    %get3A_15 = vector.load %arg2[%get3A_13, %get3A_14] : memref<1000x64xf32, #tpu.memory_space<vmem>>, vector<1000x64xf32>
    %mul3A_16 = vector.broadcast %select_n3A_6 : vector<1000x1xf32> to vector<1000x64xf32>
    %mul3A_17 = arith.mulf %mul3A_16, %get3A_15 : vector<1000x64xf32>
    %swap3A_18 = arith.constant 0 : index
    %swap3A_19 = arith.constant 0 : index
    %swap3A_20 = vector.load %arg5[%swap3A_18, %swap3A_19] : memref<1000x64xf32, #tpu.memory_space<vmem>>, vector<1000x64xf32>
    tpu.vector_store %arg5[%swap3A_18, %swap3A_19], %mul3A_17 {strides = array<i32>} : memref<1000x64xf32, #tpu.memory_space<vmem>>, vector<1000x64xf32>,
    return
  }
  func.func @transform_0(%arg0: i32) -> (i32, i32) {
    %c0_i32 = arith.constant 0 : i32
    %c0_i32_0 = arith.constant 0 : i32
    return %arg0, %c0_i32 : i32, i32
  }
  func.func @transform_1(%arg0: i32) -> (i32, i32) {
    %c0_i32 = arith.constant 0 : i32
    %c0_i32_0 = arith.constant 0 : i32
    return %arg0, %c0_i32 : i32, i32
  }
  func.func @transform_2(%arg0: i32) -> (i32, i32) {
    %c0_i32 = arith.constant 0 : i32
    %c0_i32_0 = arith.constant 0 : i32
    return %arg0, %c0_i32 : i32, i32
  }
  func.func @transform_3(%arg0: i32) -> (i32, i32) {
    %c0_i32 = arith.constant 0 : i32
    %c0_i32_0 = arith.constant 0 : i32
    return %arg0, %c0_i32 : i32, i32
  }
  func.func @transform_4(%arg0: i32) -> (i32, i32) {
    %c0_i32 = arith.constant 0 : i32
    %c0_i32_0 = arith.constant 0 : i32
    return %arg0, %c0_i32 : i32, i32
  }
}

module attributes {stable_mosaic.version = 14 : i64} {
  func.func @_dense_body(%arg0: i32, %arg1: memref<1000x128xf32, #tpu.memory_space<vmem>>, %arg2: memref<1000x64xf32, #tpu.memory_space<vmem>>, %arg3: memref<1000x64xf32, #tpu.memory_space<vmem>>, %arg4: memref<1000x128xf32, #tpu.memory_space<vmem>>, %arg5: memref<1000x64xf32, #tpu.memory_space<vmem>>, %arg6: memref<1000x1xf32, #tpu.memory_space<vmem>>, %arg7: memref<128x256xf32, #tpu.memory_space<vmem>>, %arg8: memref<128x256xf32, #tpu.memory_space<vmem>>, %arg9: memref<64x256xf32, #tpu.memory_space<vmem>>, %arg10: memref<64x256xf32, #tpu.memory_space<vmem>>, %arg11: memref<1x256xf32, #tpu.memory_space<vmem>>, %arg12: memref<3x64xf32, #tpu.memory_space<vmem>>, %arg13: memref<64x10xf32, #tpu.memory_space<vmem>>, %arg14: memref<1x10xf32, #tpu.memory_space<vmem>>, %arg15: memref<1000x10xf32, #tpu.memory_space<vmem>>, %arg16: memref<1000x64xf32, #tpu.memory_space<vmem>>, %arg17: memref<1000x64xf32, #tpu.memory_space<vmem>>) attributes {dimension_semantics = [#tpu.dimension_semantics<arbitrary>], iteration_bounds = array<i64: 10>, scalar_prefetch = 0 : i64, scratch_operands = 0 : i64, tpu.core_type = #tpu.core_type<tc>, window_params = [{transform_indices = @transform_0, window_bounds = array<i64: 1000, 128>}, {transform_indices = @transform_1, window_bounds = array<i64: 1000, 64>}, {transform_indices = @transform_2, window_bounds = array<i64: 1000, 64>}, {transform_indices = @transform_3, window_bounds = array<i64: 1000, 128>}, {transform_indices = @transform_4, window_bounds = array<i64: 1000, 64>}, {transform_indices = @transform_5, window_bounds = array<i64: 1000, 1>}, {pipeline_mode = #tpu.pipeline_mode<synchronous>, transform_indices = @transform_6, window_bounds = array<i64: 128, 256>}, {pipeline_mode = #tpu.pipeline_mode<synchronous>, transform_indices = @transform_7, window_bounds = array<i64: 128, 256>}, {pipeline_mode = #tpu.pipeline_mode<synchronous>, transform_indices = @transform_8, window_bounds = array<i64: 64, 256>}, {pipeline_mode = #tpu.pipeline_mode<synchronous>, transform_indices = @transform_9, window_bounds = array<i64: 64, 256>}, {pipeline_mode = #tpu.pipeline_mode<synchronous>, transform_indices = @transform_10, window_bounds = array<i64: 1, 256>}, {pipeline_mode = #tpu.pipeline_mode<synchronous>, transform_indices = @transform_11, window_bounds = array<i64: 3, 64>}, {pipeline_mode = #tpu.pipeline_mode<synchronous>, transform_indices = @transform_12, window_bounds = array<i64: 64, 10>}, {pipeline_mode = #tpu.pipeline_mode<synchronous>, transform_indices = @transform_13, window_bounds = array<i64: 1, 10>}, {transform_indices = @transform_14, window_bounds = array<i64: 1000, 10>}, {transform_indices = @transform_15, window_bounds = array<i64: 1000, 64>}, {transform_indices = @transform_16, window_bounds = array<i64: 1000, 64>}]} {
    %get3A = arith.constant 0 : index
    %get3A_0 = arith.constant 0 : index
    %get3A_1 = vector.load %arg6[%get3A, %get3A_0] : memref<1000x1xf32, #tpu.memory_space<vmem>>, vector<1000x1xf32>
    %gt3A = arith.constant 0.000000e+00 : f32
    %gt3A_2 = vector.broadcast %gt3A : f32 to vector<1000x1xf32>
    %gt3A_3 = arith.cmpf ogt, %get3A_1, %gt3A_2 : vector<1000x1xf32>
    %jit3A = arith.constant 1.000000e+00 : f32
    %broadcast_in_dim3A = vector.broadcast %jit3A : f32 to vector<1000x1xf32>
    %select_n3A = arith.select %gt3A_3, %get3A_1, %broadcast_in_dim3A : vector<1000x1xi1>, vector<1000x1xf32>
    %rsqrt3A = math.rsqrt %select_n3A : vector<1000x1xf32>
    %jit3A_4 = arith.constant 0.000000e+00 : f32
    %broadcast_in_dim3A_5 = vector.broadcast %jit3A_4 : f32 to vector<1000x1xf32>
    %select_n3A_6 = arith.select %gt3A_3, %rsqrt3A, %broadcast_in_dim3A_5 : vector<1000x1xi1>, vector<1000x1xf32>
    %jit3A_7 = arith.constant 1.000000e+00 : f32
    %jit3A_8 = arith.constant -1.000000e+00 : f32
    %broadcast_in_dim3A_9 = vector.broadcast %jit3A_7 : f32 to vector<1000x1xf32>
    %broadcast_in_dim3A_10 = vector.broadcast %jit3A_8 : f32 to vector<1000x1xf32>
    %select_n3A_11 = arith.select %gt3A_3, %broadcast_in_dim3A_9, %broadcast_in_dim3A_10 : vector<1000x1xi1>, vector<1000x1xf32>
    %get3A_12 = arith.constant 0 : index
    %get3A_13 = arith.constant 0 : index
    %get3A_14 = vector.load %arg1[%get3A_12, %get3A_13] : memref<1000x128xf32, #tpu.memory_space<vmem>>, vector<1000x128xf32>
    %get3A_15 = arith.constant 0 : index
    %get3A_16 = arith.constant 0 : index
    %get3A_17 = vector.load %arg2[%get3A_15, %get3A_16] : memref<1000x64xf32, #tpu.memory_space<vmem>>, vector<1000x64xf32>
    %get3A_18 = arith.constant 0 : index
    %get3A_19 = arith.constant 0 : index
    %get3A_20 = vector.load %arg3[%get3A_18, %get3A_19] : memref<1000x64xf32, #tpu.memory_space<vmem>>, vector<1000x64xf32>
    %get3A_21 = arith.constant 0 : index
    %get3A_22 = arith.constant 0 : index
    %get3A_23 = vector.load %arg4[%get3A_21, %get3A_22] : memref<1000x128xf32, #tpu.memory_space<vmem>>, vector<1000x128xf32>
    %get3A_24 = arith.constant 0 : index
    %get3A_25 = arith.constant 0 : index
    %get3A_26 = vector.load %arg5[%get3A_24, %get3A_25] : memref<1000x64xf32, #tpu.memory_space<vmem>>, vector<1000x64xf32>
    %mul3A = vector.broadcast %select_n3A_11 : vector<1000x1xf32> to vector<1000x128xf32>
    %mul3A_27 = arith.mulf %mul3A, %get3A_14 : vector<1000x128xf32>
    %mul3A_28 = arith.constant 2.000000e+00 : f32
    %mul3A_29 = vector.broadcast %mul3A_28 : f32 to vector<1000x1xf32>
    %mul3A_30 = arith.mulf %mul3A_29, %select_n3A_6 : vector<1000x1xf32>
    %mul3A_31 = vector.broadcast %mul3A_30 : vector<1000x1xf32> to vector<1000x128xf32>
    %mul3A_32 = arith.mulf %mul3A_31, %get3A_23 : vector<1000x128xf32>
    %sub3A = arith.subf %mul3A_27, %mul3A_32 : vector<1000x128xf32>
    %mul3A_33 = vector.broadcast %select_n3A_11 : vector<1000x1xf32> to vector<1000x64xf32>
    %mul3A_34 = arith.mulf %mul3A_33, %get3A_17 : vector<1000x64xf32>
    %mul3A_35 = arith.constant 2.000000e+00 : f32
    %mul3A_36 = vector.broadcast %mul3A_35 : f32 to vector<1000x1xf32>
    %mul3A_37 = arith.mulf %mul3A_36, %select_n3A_6 : vector<1000x1xf32>
    %mul3A_38 = vector.broadcast %mul3A_37 : vector<1000x1xf32> to vector<1000x64xf32>
    %mul3A_39 = arith.mulf %mul3A_38, %get3A_26 : vector<1000x64xf32>
    %sub3A_40 = arith.subf %mul3A_34, %mul3A_39 : vector<1000x64xf32>
    %get3A_41 = arith.constant 0 : index
    %get3A_42 = arith.constant 0 : index
    %get3A_43 = vector.load %arg7[%get3A_41, %get3A_42] : memref<128x256xf32, #tpu.memory_space<vmem>>, vector<128x256xf32>
    %dot_general3A = arith.constant dense<0.000000e+00> : vector<1000x256xf32>
    %dot_general3A_44 = tpu.matmul %get3A_14, %get3A_43, %dot_general3A {dimension_numbers = #tpu.dot_dimension_numbers<[1], [0], [0], [1], [0, 0, 1, 1], [], []>, precision = #tpu.contract_precision<fp32>, transpose_lhs_hint = false} : vector<1000x128xf32>, vector<128x256xf32>, vector<1000x256xf32> -> vector<1000x256xf32>
    %get3A_45 = arith.constant 0 : index
    %get3A_46 = arith.constant 0 : index
    %get3A_47 = vector.load %arg8[%get3A_45, %get3A_46] : memref<128x256xf32, #tpu.memory_space<vmem>>, vector<128x256xf32>
    %dot_general3A_48 = arith.constant dense<0.000000e+00> : vector<1000x256xf32>
    %dot_general3A_49 = tpu.matmul %sub3A, %get3A_47, %dot_general3A_48 {dimension_numbers = #tpu.dot_dimension_numbers<[1], [0], [0], [1], [0, 0, 1, 1], [], []>, precision = #tpu.contract_precision<fp32>, transpose_lhs_hint = false} : vector<1000x128xf32>, vector<128x256xf32>, vector<1000x256xf32> -> vector<1000x256xf32>
    %add3A = arith.addf %dot_general3A_44, %dot_general3A_49 : vector<1000x256xf32>
    %get3A_50 = arith.constant 0 : index
    %get3A_51 = arith.constant 0 : index
    %get3A_52 = vector.load %arg9[%get3A_50, %get3A_51] : memref<64x256xf32, #tpu.memory_space<vmem>>, vector<64x256xf32>
    %dot_general3A_53 = arith.constant dense<0.000000e+00> : vector<1000x256xf32>
    %dot_general3A_54 = tpu.matmul %get3A_17, %get3A_52, %dot_general3A_53 {dimension_numbers = #tpu.dot_dimension_numbers<[1], [0], [0], [1], [0, 0, 1, 1], [], []>, precision = #tpu.contract_precision<fp32>, transpose_lhs_hint = false} : vector<1000x64xf32>, vector<64x256xf32>, vector<1000x256xf32> -> vector<1000x256xf32>
    %add3A_55 = arith.addf %add3A, %dot_general3A_54 : vector<1000x256xf32>
    %get3A_56 = arith.constant 0 : index
    %get3A_57 = arith.constant 0 : index
    %get3A_58 = vector.load %arg10[%get3A_56, %get3A_57] : memref<64x256xf32, #tpu.memory_space<vmem>>, vector<64x256xf32>
    %dot_general3A_59 = arith.constant dense<0.000000e+00> : vector<1000x256xf32>
    %dot_general3A_60 = tpu.matmul %sub3A_40, %get3A_58, %dot_general3A_59 {dimension_numbers = #tpu.dot_dimension_numbers<[1], [0], [0], [1], [0, 0, 1, 1], [], []>, precision = #tpu.contract_precision<fp32>, transpose_lhs_hint = false} : vector<1000x64xf32>, vector<64x256xf32>, vector<1000x256xf32> -> vector<1000x256xf32>
    %add3A_61 = arith.addf %add3A_55, %dot_general3A_60 : vector<1000x256xf32>
    %get3A_62 = arith.constant 0 : index
    %get3A_63 = arith.constant 0 : index
    %get3A_64 = vector.load %arg11[%get3A_62, %get3A_63] : memref<1x256xf32, #tpu.memory_space<vmem>>, vector<1x256xf32>
    %add3A_65 = vector.broadcast %get3A_64 : vector<1x256xf32> to vector<1000x256xf32>
    %add3A_66 = arith.addf %add3A_61, %add3A_65 : vector<1000x256xf32>
    %slice3A = vector.extract_strided_slice %add3A_66 {offsets = [0, 0], sizes = [1000, 64], strides = [1, 1]} : vector<1000x256xf32> to vector<1000x64xf32>
    %get3A_67 = arith.constant 0 : index
    %get3A_68 = arith.constant 0 : index
    %get3A_69 = vector.load %arg12[%get3A_67, %get3A_68] : memref<3x64xf32, #tpu.memory_space<vmem>>, vector<1x64xf32>
    %mul3A_70 = vector.broadcast %get3A_69 : vector<1x64xf32> to vector<1000x64xf32>
    %mul3A_71 = arith.mulf %mul3A_70, %get3A_20 : vector<1000x64xf32>
    %add3A_72 = arith.addf %slice3A, %mul3A_71 : vector<1000x64xf32>
    %logistic3A = arith.negf %add3A_72 : vector<1000x64xf32>
    %logistic3A_73 = math.exp %logistic3A : vector<1000x64xf32>
    %logistic3A_74 = arith.constant 1.000000e+00 : f32
    %logistic3A_75 = vector.broadcast %logistic3A_74 : f32 to vector<1000x64xf32>
    %logistic3A_76 = arith.addf %logistic3A_75, %logistic3A_73 : vector<1000x64xf32>
    %logistic3A_77 = arith.divf %logistic3A_75, %logistic3A_76 : vector<1000x64xf32>
    %slice3A_78 = vector.extract_strided_slice %add3A_66 {offsets = [0, 64], sizes = [1000, 64], strides = [1, 1]} : vector<1000x256xf32> to vector<1000x64xf32>
    %get3A_79 = arith.constant 1 : index
    %get3A_80 = arith.constant 0 : index
    %get3A_81 = vector.load %arg12[%get3A_79, %get3A_80] : memref<3x64xf32, #tpu.memory_space<vmem>>, vector<1x64xf32>
    %mul3A_82 = vector.broadcast %get3A_81 : vector<1x64xf32> to vector<1000x64xf32>
    %mul3A_83 = arith.mulf %mul3A_82, %get3A_20 : vector<1000x64xf32>
    %add3A_84 = arith.addf %slice3A_78, %mul3A_83 : vector<1000x64xf32>
    %logistic3A_85 = arith.negf %add3A_84 : vector<1000x64xf32>
    %logistic3A_86 = math.exp %logistic3A_85 : vector<1000x64xf32>
    %logistic3A_87 = arith.constant 1.000000e+00 : f32
    %logistic3A_88 = vector.broadcast %logistic3A_87 : f32 to vector<1000x64xf32>
    %logistic3A_89 = arith.addf %logistic3A_88, %logistic3A_86 : vector<1000x64xf32>
    %logistic3A_90 = arith.divf %logistic3A_88, %logistic3A_89 : vector<1000x64xf32>
    %slice3A_91 = vector.extract_strided_slice %add3A_66 {offsets = [0, 128], sizes = [1000, 64], strides = [1, 1]} : vector<1000x256xf32> to vector<1000x64xf32>
    %tanh3A = math.tanh %slice3A_91 : vector<1000x64xf32>
    %mul3A_92 = arith.mulf %logistic3A_90, %get3A_20 : vector<1000x64xf32>
    %mul3A_93 = arith.mulf %logistic3A_77, %tanh3A : vector<1000x64xf32>
    %add3A_94 = arith.addf %mul3A_92, %mul3A_93 : vector<1000x64xf32>
    %slice3A_95 = vector.extract_strided_slice %add3A_66 {offsets = [0, 192], sizes = [1000, 64], strides = [1, 1]} : vector<1000x256xf32> to vector<1000x64xf32>
    %get3A_96 = arith.constant 2 : index
    %get3A_97 = arith.constant 0 : index
    %get3A_98 = vector.load %arg12[%get3A_96, %get3A_97] : memref<3x64xf32, #tpu.memory_space<vmem>>, vector<1x64xf32>
    %mul3A_99 = vector.broadcast %get3A_98 : vector<1x64xf32> to vector<1000x64xf32>
    %mul3A_100 = arith.mulf %mul3A_99, %add3A_94 : vector<1000x64xf32>
    %add3A_101 = arith.addf %slice3A_95, %mul3A_100 : vector<1000x64xf32>
    %logistic3A_102 = arith.negf %add3A_101 : vector<1000x64xf32>
    %logistic3A_103 = math.exp %logistic3A_102 : vector<1000x64xf32>
    %logistic3A_104 = arith.constant 1.000000e+00 : f32
    %logistic3A_105 = vector.broadcast %logistic3A_104 : f32 to vector<1000x64xf32>
    %logistic3A_106 = arith.addf %logistic3A_105, %logistic3A_103 : vector<1000x64xf32>
    %logistic3A_107 = arith.divf %logistic3A_105, %logistic3A_106 : vector<1000x64xf32>
    %tanh3A_108 = math.tanh %add3A_94 : vector<1000x64xf32>
    %mul3A_109 = arith.mulf %logistic3A_107, %tanh3A_108 : vector<1000x64xf32>
    %max3A = arith.constant 0.000000e+00 : f32
    %max3A_110 = vector.broadcast %max3A : f32 to vector<1000x64xf32>
    %max3A_111 = arith.maximumf %mul3A_109, %max3A_110 : vector<1000x64xf32>
    %get3A_112 = arith.constant 0 : index
    %get3A_113 = arith.constant 0 : index
    %get3A_114 = vector.load %arg13[%get3A_112, %get3A_113] : memref<64x10xf32, #tpu.memory_space<vmem>>, vector<64x10xf32>
    %dot_general3A_115 = arith.constant dense<0.000000e+00> : vector<1000x10xf32>
    %dot_general3A_116 = tpu.matmul %max3A_111, %get3A_114, %dot_general3A_115 {dimension_numbers = #tpu.dot_dimension_numbers<[1], [0], [0], [1], [0, 0, 1, 1], [], []>, precision = #tpu.contract_precision<fp32>, transpose_lhs_hint = false} : vector<1000x64xf32>, vector<64x10xf32>, vector<1000x10xf32> -> vector<1000x10xf32>
    %get3A_117 = arith.constant 0 : index
    %get3A_118 = arith.constant 0 : index
    %get3A_119 = vector.load %arg14[%get3A_117, %get3A_118] : memref<1x10xf32, #tpu.memory_space<vmem>>, vector<1x10xf32>
    %add3A_120 = vector.broadcast %get3A_119 : vector<1x10xf32> to vector<1000x10xf32>
    %add3A_121 = arith.addf %dot_general3A_116, %add3A_120 : vector<1000x10xf32>
    %swap3A = arith.constant 0 : index
    %swap3A_122 = arith.constant 0 : index
    %swap3A_123 = vector.load %arg15[%swap3A, %swap3A_122] : memref<1000x10xf32, #tpu.memory_space<vmem>>, vector<1000x10xf32>
    tpu.vector_store %arg15[%swap3A, %swap3A_122], %add3A_121 {strides = array<i32>} : memref<1000x10xf32, #tpu.memory_space<vmem>>, vector<1000x10xf32>,
    %swap3A_124 = arith.constant 0 : index
    %swap3A_125 = arith.constant 0 : index
    %swap3A_126 = vector.load %arg16[%swap3A_124, %swap3A_125] : memref<1000x64xf32, #tpu.memory_space<vmem>>, vector<1000x64xf32>
    tpu.vector_store %arg16[%swap3A_124, %swap3A_125], %max3A_111 {strides = array<i32>} : memref<1000x64xf32, #tpu.memory_space<vmem>>, vector<1000x64xf32>,
    %swap3A_127 = arith.constant 0 : index
    %swap3A_128 = arith.constant 0 : index
    %swap3A_129 = vector.load %arg17[%swap3A_127, %swap3A_128] : memref<1000x64xf32, #tpu.memory_space<vmem>>, vector<1000x64xf32>
    tpu.vector_store %arg17[%swap3A_127, %swap3A_128], %add3A_94 {strides = array<i32>} : memref<1000x64xf32, #tpu.memory_space<vmem>>, vector<1000x64xf32>,
    return
  }
  func.func @transform_0(%arg0: i32) -> (i32, i32) {
    %c0_i32 = arith.constant 0 : i32
    %c0_i32_0 = arith.constant 0 : i32
    return %arg0, %c0_i32 : i32, i32
  }
  func.func @transform_1(%arg0: i32) -> (i32, i32) {
    %c0_i32 = arith.constant 0 : i32
    %c0_i32_0 = arith.constant 0 : i32
    return %arg0, %c0_i32 : i32, i32
  }
  func.func @transform_2(%arg0: i32) -> (i32, i32) {
    %c0_i32 = arith.constant 0 : i32
    %c0_i32_0 = arith.constant 0 : i32
    return %arg0, %c0_i32 : i32, i32
  }
  func.func @transform_3(%arg0: i32) -> (i32, i32) {
    %c0_i32 = arith.constant 0 : i32
    %c0_i32_0 = arith.constant 0 : i32
    return %arg0, %c0_i32 : i32, i32
  }
  func.func @transform_4(%arg0: i32) -> (i32, i32) {
    %c0_i32 = arith.constant 0 : i32
    %c0_i32_0 = arith.constant 0 : i32
    return %arg0, %c0_i32 : i32, i32
  }
  func.func @transform_5(%arg0: i32) -> (i32, i32) {
    %c0_i32 = arith.constant 0 : i32
    %c0_i32_0 = arith.constant 0 : i32
    return %arg0, %c0_i32 : i32, i32
  }
  func.func @transform_6(%arg0: i32) -> (i32, i32) {
    %c0_i32 = arith.constant 0 : i32
    %c0_i32_0 = arith.constant 0 : i32
    %c0_i32_1 = arith.constant 0 : i32
    return %c0_i32, %c0_i32_0 : i32, i32
  }
  func.func @transform_7(%arg0: i32) -> (i32, i32) {
    %c0_i32 = arith.constant 0 : i32
    %c0_i32_0 = arith.constant 0 : i32
    %c0_i32_1 = arith.constant 0 : i32
    return %c0_i32, %c0_i32_0 : i32, i32
  }
  func.func @transform_8(%arg0: i32) -> (i32, i32) {
    %c0_i32 = arith.constant 0 : i32
    %c0_i32_0 = arith.constant 0 : i32
    %c0_i32_1 = arith.constant 0 : i32
    return %c0_i32, %c0_i32_0 : i32, i32
  }
  func.func @transform_9(%arg0: i32) -> (i32, i32) {
    %c0_i32 = arith.constant 0 : i32
    %c0_i32_0 = arith.constant 0 : i32
    %c0_i32_1 = arith.constant 0 : i32
    return %c0_i32, %c0_i32_0 : i32, i32
  }
  func.func @transform_10(%arg0: i32) -> (i32, i32) {
    %c0_i32 = arith.constant 0 : i32
    %c0_i32_0 = arith.constant 0 : i32
    %c0_i32_1 = arith.constant 0 : i32
    return %c0_i32, %c0_i32_0 : i32, i32
  }
  func.func @transform_11(%arg0: i32) -> (i32, i32) {
    %c0_i32 = arith.constant 0 : i32
    %c0_i32_0 = arith.constant 0 : i32
    %c0_i32_1 = arith.constant 0 : i32
    return %c0_i32, %c0_i32_0 : i32, i32
  }
  func.func @transform_12(%arg0: i32) -> (i32, i32) {
    %c0_i32 = arith.constant 0 : i32
    %c0_i32_0 = arith.constant 0 : i32
    %c0_i32_1 = arith.constant 0 : i32
    return %c0_i32, %c0_i32_0 : i32, i32
  }
  func.func @transform_13(%arg0: i32) -> (i32, i32) {
    %c0_i32 = arith.constant 0 : i32
    %c0_i32_0 = arith.constant 0 : i32
    %c0_i32_1 = arith.constant 0 : i32
    return %c0_i32, %c0_i32_0 : i32, i32
  }
  func.func @transform_14(%arg0: i32) -> (i32, i32) {
    %c0_i32 = arith.constant 0 : i32
    %c0_i32_0 = arith.constant 0 : i32
    return %arg0, %c0_i32 : i32, i32
  }
  func.func @transform_15(%arg0: i32) -> (i32, i32) {
    %c0_i32 = arith.constant 0 : i32
    %c0_i32_0 = arith.constant 0 : i32
    return %arg0, %c0_i32 : i32, i32
  }
  func.func @transform_16(%arg0: i32) -> (i32, i32) {
    %c0_i32 = arith.constant 0 : i32
    %c0_i32_0 = arith.constant 0 : i32
    return %arg0, %c0_i32 : i32, i32
  }
}

</mosaic_0001>

<sc_bundles>
// kernel: kernel.10.cloned.1.call-start
scs
__scs_entry_jumppad:
0x0: {  	(pc) =	sbr.rel $0x88, $3  }
0x1: {  	(tag) =	ssettag $0x0;
	lr =	simm.s32 $0x1  }
0x2: {  	[smem:$0x3F96] =	sst lr;
	_ =	strace $0xD0000000  }
0x3: {  	_ = 	snop  }
0x4: {  	_ = 	snop  }
0x5: {  	_ = 	snop  }
0x6: {  	_ = 	snop  }
0x7: {  	_ = 	snop  }
__scs_overlays_trampoline_lowered:
0x8: {  	[smem:$0x3FA5] =	sst s0  }
0x9: {  	[smem:$0x3FA6] =	sst s1  }
0xa: {  	[smem:$0x3FA7] =	sst s2  }
0xb: {  	[smem:$0x3FA8] =	sst s3  }
0xc: {  	[smem:$0x3FA9] =	sst s4  }
0xd: {  	[smem:$0x3FAA] =	sst s5  }
0xe: {  	[smem:$0x3FAB] =	sst s6  }
0xf: {  	[smem:$0x3FAC] =	sst s7  }
0x10: {  	[smem:$0x3FAD] =	sst s8  }
0x11: {  	[smem:$0x3FAE] =	sst s9;
	s0 =	simm.s32 @!p0 $0x0  }
0x12: {  	s1 =	sld [smem:$0x3F94];
	s0 =	simm.s32 @p0 $0x1  }
0x13: {  	[smem:$0x3FAF] =	sst s0;
	s0 =	simm.s32 @!p1 $0x0  }
0x14: {  	s2 =	sld [smem:$0x3F93];
	s0 =	simm.s32 @p1 $0x1  }
0x15: {  	[smem:$0x3FB0] =	sst s0;
	s0 =	simm.s32 @!p2 $0x0  }
0x16: {  	s3 =	sld [smem:$0x3FDB];
	s0 =	simm.s32 @p2 $0x1  }
0x17: {  	s4 =	simm.s32 $0x1BF5;
	[smem:$0x3FB2] =	sst s0  }
0x18: {  	s0 =	sld [smem:$0x3F95];
	_ =	swait.ge [sflag:s4], $0x0  }
0x19: {  	s7 =	sld [smem:$0x3F96]  }
0x1a: {  	s8 =	sadd.s32 $0xFFFFE003, lr  }
0x1b: {  	s9 =	sadd.s32 $0xFFFFFEF7, lr;
	s5 =	simm.s32 $0xFFFFFFFF;
	p2 =	slt.u32 s8, $0xFFFFF086  }
0x1c: {  	p1 =	slt.u32 s9, $0xF7A;
	s5 =	simm.s32 @!p2 $0x0  }
0x1d: {  	s5 =	simm.s32 @p1 $0x1;
	p0 =	seq.s32 s7, s2  }
0x1e: {  	s7 =	smul.u32 @!p0 $0xF7A, s2;
	p2 =	seq.s32 @!p0 s5, $0x0  }
0x1f: {  	s9 =	smul.u32 $0xF7A, s1;
	s8 =	simm.s32 @!p0 $0x1BF5;
	p2 =	por !p2, p0  }
0x20: {  	[sflag:s8] =	ssyncset.s32 @!p0 $0xFFFFF086;
	s6 =	sadd.s32 @!p0 s3, s7;
	s7 =	simm.s32 @!p0 $0x108  }
0x21: {  	s3 =	sadd.s32 s3, s9;
	s6 =	sadd.s32 @!p0 $0x88, s6;
	s7 =	simm.s32 @p2 $0x1082  }
0x22: {  	[simem:s7], [sflag:s8] =	dma.local @!p0 [hbm:s6], $0xF7A  }
0x23: {  	s9 =	sor.u32 $0xD0000000, s2;
	s6 =	simm.s32 $0x108;
	_ =	swait.ge @!p0 [sflag:s8], $0x0  }
0x24: {  	s3 =	sadd.s32 $0x88, s3;
	s6 =	simm.s32 @!p1 $0x1082;
	[sflag:s4] =	ssyncset.s32 $0xFFFFF086  }
0x25: {  	[simem:s6], [sflag:s4] =	dma.local [hbm:s3], $0xF7A  }
0x26: {  	[smem:$0x3F96] =	sst s1;
	(tag) =	ssettag s2;
	_ =	strace s9  }
0x27: {  	s1 =	sld [smem:$0x3FA6]  }
0x28: {  	s2 =	sld [smem:$0x3FA7]  }
0x29: {  	s4 =	sld [smem:$0x3FA9]  }
0x2a: {  	p0 =	seq.s32 s5, $0x0;
	s5 =	sld [smem:$0x3FAA]  }
0x2b: {  	s6 =	sld [smem:$0x3FAB]  }
0x2c: {  	s7 =	sld [smem:$0x3FAC]  }
0x2d: {  	s3 =	simm.s32 $0x108;
	s8 =	sld [smem:$0x3FAD]  }
0x2e: {  	s3 =	simm.s32 @!p0 $0x1082;
	s9 =	sld [smem:$0x3FAE]  }
0x2f: {  	lr =	sadd.s32 s0, s3;
	s0 =	sld [smem:$0x3FA5]  }
0x30: {  	s3 =	sld [smem:$0x3FA8]  }
0x31: {  	[smem:$0x3FB1] =	sst s10  }
0x32: {  	s10 =	sld [smem:$0x3FAF];
	_ =	sdelay $0x3  }
0x33: {  	p0 =	seq.s32 s10, $0x1;
	s10 =	sld [smem:$0x3FB1];
	_ =	sdelay $0x3  }
0x34: {  	[smem:$0x3FB1] =	sst s10  }
0x35: {  	s10 =	sld [smem:$0x3FB0];
	_ =	sdelay $0x3  }
0x36: {  	p1 =	seq.s32 s10, $0x1;
	s10 =	sld [smem:$0x3FB1];
	_ =	sdelay $0x3  }
0x37: {  	[smem:$0x3FB1] =	sst s10  }
0x38: {  	s10 =	sld [smem:$0x3FB2]  }
0x39: {  	_ = 	snop;
	(pc) =	sbr.ind lr, $3  }
0x3a: {  	_ = 	snop  }
0x3b: {  	_ = 	snop  }
0x3c: {  	p2 =	seq.s32 s10, $0x1;
	s10 =	sld [smem:$0x3FB1]  }
0x3d: {  	_ =	shalt  }
0x3e: {  	_ =	shalt  }
0x3f: {  	_ =	shalt  }
0x40: {  	_ =	shalt  }
0x41: {  	_ =	shalt  }
0x42: {  	_ =	shalt  }
0x43: {  	_ =	shalt  }
0x44: {  	_ =	shalt  }
0x45: {  	_ =	shalt  }
0x46: {  	_ =	shalt  }
0x47: {  	_ =	shalt  }
0x48: {  	_ =	shalt  }
0x49: {  	_ =	shalt  }
0x4a: {  	_ =	shalt  }
0x4b: {  	_ =	shalt  }
0x4c: {  	_ =	shalt  }
0x4d: {  	_ =	shalt  }
0x4e: {  	_ =	shalt  }
0x4f: {  	_ =	shalt  }
0x50: {  	_ =	shalt  }
0x51: {  	_ =	shalt  }
0x52: {  	_ =	shalt  }
0x53: {  	_ =	shalt  }
0x54: {  	_ =	shalt  }
0x55: {  	_ =	shalt  }
0x56: {  	_ =	shalt  }
0x57: {  	_ =	shalt  }
0x58: {  	_ =	shalt  }
0x59: {  	_ =	shalt  }
0x5a: {  	_ =	shalt  }
0x5b: {  	_ =	shalt  }
0x5c: {  	_ =	shalt  }
0x5d: {  	_ =	shalt  }
0x5e: {  	_ =	shalt  }
0x5f: {  	_ =	shalt  }
0x60: {  	_ =	shalt  }
0x61: {  	_ =	shalt  }
0x62: {  	_ =	shalt  }
0x63: {  	_ =	shalt  }
0x64: {  	_ =	shalt  }
0x65: {  	_ =	shalt  }
0x66: {  	_ =	shalt  }
0x67: {  	_ =	shalt  }
0x68: {  	_ =	shalt  }
0x69: {  	_ =	shalt  }
0x6a: {  	_ =	shalt  }
0x6b: {  	_ =	shalt  }
0x6c: {  	_ =	shalt  }
0x6d: {  	_ =	shalt  }
0x6e: {  	_ =	shalt  }
0x6f: {  	_ =	shalt  }
0x70: {  	_ =	shalt  }
0x71: {  	_ =	shalt  }
0x72: {  	_ =	shalt  }
0x73: {  	_ =	shalt  }
0x74: {  	_ =	shalt  }
0x75: {  	_ =	shalt  }
0x76: {  	_ =	shalt  }
0x77: {  	_ =	shalt  }
0x78: {  	_ =	shalt  }
0x79: {  	_ =	shalt  }
0x7a: {  	_ =	shalt  }
0x7b: {  	_ =	shalt  }
0x7c: {  	_ =	shalt  }
0x7d: {  	_ =	shalt  }
0x7e: {  	_ =	shalt  }
0x7f: {  	_ =	shalt  }
0x80: {  	_ =	shalt  }
0x81: {  	_ =	shalt  }
0x82: {  	_ =	shalt  }
0x83: {  	_ =	shalt  }
0x84: {  	_ =	shalt  }
0x85: {  	_ =	shalt  }
0x86: {  	_ =	shalt  }
0x87: {  	_ =	shalt  }
.Lfunc_end0:
.L_simem_size_0:
called_computation.1_lowered:
.L_overlay_start_0:
0x88: {  	s2 =	sld [smem:$0x3FD9]  }
0x89: {  	s3 =	sld [smem:$0x3FFE];
	_ =	sdelay $0x1  }
0x8a: {  	s1 =	srdreg.scid  }
0x8b: {  	s0 =	sand.u32 $0x1, s1  }
0x8c: {  	s16 =	sshll.u32 s0, $0xA;
	s2 =	sadd.s32 s3, s2  }
0x8d: {  	s2 =	sadd.s32 s2, s16  }
0x8e: {  	[smem:$0x3FBD] =	sst s2  }
0x8f: {  	_ = 	snop  }
0x90: {  	(tm) =	ssettm $0x1  }
0x91: {  	s17 =	sld [smem:$0x3FFB];
	_ =	sdelay $0x3  }
0x92: {  	_ =	strace s17  }
0x93: {  	s2 =	sld [smem:$0x3FFC];
	_ =	sdelay $0x3  }
0x94: {  	_ =	strace s2  }
0x95: {  	s2 =	sld [smem:$0x3FFD];
	_ =	sdelay $0x3  }
0x96: {  	_ =	strace s2  }
0x97: {  	_ =	strace $0x8FFFFFFF  }
0x98: {  	s18 =	sld [smem:$0x3FDB];
	_ =	sdelay $0x1  }
0x99: {  	s19 =	simm.s32 $_scs_section_size  }
0x9a: {  	s4 =	simm.s32 $_size__tile_overlayer_lowered;
	s5 =	simm.s32 $_tile_overlayer_lowered  }
0x9b: {  	s22 =	simm.s32 $0x1BFF;
	s21 =	sshll.u32 s5, $0x1;
	s2 =	sadd.s32 s19, s18  }
0x9c: {  	s6 =	simm.s32 $0x0;
	s20 =	sshll.u32 s4, $0x1;
	s4 =	sadd.s32 s21, s2  }
0x9d: {  	[timem:s6], [sflag:s22] =	dma.local [hbm:s4], s20  }
0x9e: {  	_ =	swait.ge [sflag:s22], s20  }
0x9f: {  	s3 =	ssub.s32 $0x0, s20;
	[sflag:s22] =	ssyncset.done $0x0  }
0xa0: {  	[sflag:s22] =	ssyncadd.s32 s3;
	_ =	sdelay $0x1  }
0xa1: {  	s23 =	simm.s32 $0x1B8B  }
0xa2: {  	_ =	swait.ge [sflag:s23], $0x1  }
0xa3: {  	[sflag:s23] =	ssyncset.done $0x0  }
0xa4: {  	s25 =	simm.s32 $0x1B8E;
	s24 =	sld [smem:$0x3FFE];
	[sflag:s23] =	ssyncadd.s32 $0xFFFFFFFF  }
0xa5: {  	s26 =	simm.s32 $execute0_lowered;
	[smem:$0x3FD2] =	sst s25  }
0xa6: {  	s4 =	sshll.u32 s26, $0x1;
	_ =	strace $0x80000049;
	[dreg:$0x1] =	wrdreg $0xFFFFFFFF  }
0xa7: {  	s28 =	simm.s32 $_size_execute0_lowered;
	s2 =	sadd.s32 s2, s4;
	[dreg:$0x0] =	wrdreg $0x0  }
0xa8: {  	s4 =	sshll.u32 s28, $0x1;
	[dreg:$0x2] =	wrdreg s2  }
0xa9: {  	[dreg:$0x3] =	wrdreg s4  }
0xaa: {  	[dreg:$0x4] =	wrdreg $0xC0  }
0xab: {  	_ =	task [dreg:s6], $0x5FFFF  }
0xac: {  	[dreg:$0x1] =	wrdreg $0xFFFFFFFF  }
0xad: {  	[dreg:$0x0] =	wrdreg $0x60  }
0xae: {  	[dreg:$0x2] =	wrdreg s24  }
0xaf: {  	[dreg:$0x3] =	wrdreg $0x9  }
0xb0: {  	_ =	task.clear_ibuf [dreg:s6], $0x4FFFF;
	_ =	strace $0x90000049  }
0xb1: {  	s29 =	simm.s32 $0x9;
	_ =	strace $0x8000004B  }
0xb2: {  	_ =	swait.ge [sflag:s29], $0x1  }
0xb3: {  	[sflag:s29] =	ssyncadd.s32 $0xFFFFFFFF  }
0xb4: {  	_ =	strace $0x9000004B  }
0xb5: {  	_ =	sfence  }
0xb6: {  	s30 =	sld [smem:$0x0];
	_ =	sdelay $0x2  }
0xb7: {  	s31 =	sshll.u32 s1, $0xD;
	s1 =	sshrl.u32 s1, $0x2  }
0xb8: {  	s3 =	sand.u32 $0x4000, s31;
	s1 =	sadd.s32 s1, s30  }
0xb9: {  	s0 =	sor.u32 s3, s0;
	s1 =	sshll.u32 s1, $0x11  }
0xba: {  	s0 =	sor.u32 s1, s0  }
0xbb: {  	s0 =	sadd.s32 $0x8F2B, s0  }
0xbc: {  	[sflag:s0] =	ssyncadd.remote.s32 $0x1  }
0xbd: {  	_ =	sfence.sel $0xFFFF  }
0xbe: {  	[dreg:$0x0] =	wrdreg $0xFFFFFFFF;
	(pc) =	sbr.abs _section_cstart, $3  }
0xbf: {  	[dreg:$0x1] =	wrdreg $0xFFFFFFFF  }
0xc0: {  	_ =	task.clear_ibuf [dreg:s6], $0x2FFFF;
	_ =	strace $0x9FFFFFFF  }
0xc1: {  	(tm) =	ssettm $0x7FFFFFFF  }
tec
execute0_lowered:
.L_overlay_start_1:
0x0: {  	(tag) =	ssettag $0x1  }
0x1: {  	s0 =	rddreg [dreg:$0x0]  }
0x2: {  	s1 =	srdreg.scid;
	s2 =	simm.s32 $0x0;
	s4 =	stileid.u32  }
0x3: {  	s17 =	simm.s32 $0x1900;
	s18 =	simm.s32 $0x1;
	s19 =	simm.s32 $0x4080  }
0x4: {  	s20 =	simm.s32 $0x6800;
	s21 =	simm.s32 $0x8F80;
	s22 =	simm.s32 $0xB700  }
0x5: {  	s23 =	simm.s32 $0xDE80;
	s24 =	simm.s32 $0x10600;
	s28 =	simm.s32 $0x17C80  }
0x6: {  	s29 =	simm.s32 $0x1A400;
	s30 =	simm.s32 $0x1CB80;
	s1 =	sand.u32 $0x1, s1  }
0x7: {  	s31 =	simm.s32 $0x0;
	[smem:$0x7FF] =	sst s2;
	s3 =	sshll.u32 s1, $0x4  }
0x8: {  	s9 =	sadd.s32 $0x47800, s0;
	s1 =	ssub.s32 $0x2, s1;
	s4 =	sor.u32 s4, s3  }
0x9: {  	_ =	strace $0x8000004A;
	s6 =	sshrl.u32 s1, $0x1;
	s5 =	smul.u32 $0xED00, s4  }
0xa: {  	s3 =	sadd.s32 $0x16800, s0;
	s4 =	smul.u32 $0x1DA0, s4;
	s1 =	ssub.s32 s1, s6  }
0xb: {  	s0 =	sadd.s32 $0x82C00, s0;
	s16 =	smax.u32 s1, $0x1;
	s7 =	sshrl.u32 s5, $0x3  }
0xc: {  	s25 =	sadd.s32 s9, s4;
	s10 =	sadd.s32 s0, s4;
	s11 =	sadd.s32 $0x4F0, s7  }
0xd: {  	s12 =	sadd.s32 $0x9E0, s7;
	[dreg:$0x2] =	wrdreg s25;
	s13 =	sadd.s32 $0xED0, s7  }
0xe: {  	s14 =	sadd.s32 $0x13C0, s7;
	s15 =	sadd.s32 $0x18B0, s7;
	s25 =	simm.s32 $0x12D80  }
0xf: {  	s26 =	sadd.s32 s9, s11;
	s6 =	sadd.s32 s9, s12;
	s7 =	sadd.s32 s9, s13  }
0x10: {  	s8 =	sadd.s32 s9, s14;
	s9 =	sadd.s32 s9, s15;
	s11 =	sadd.s32 s0, s11  }
0x11: {  	s12 =	sadd.s32 s0, s12;
	s13 =	sadd.s32 s0, s13;
	s14 =	sadd.s32 s0, s14  }
0x12: {  	v0 =	vimm.f32 $0.0e+00;
	s15 =	sadd.s32 s0, s15;
	[dreg:$0x3] =	wrdreg s26;
	s26 =	simm.s32 $0x15500  }
.LBB2_1:
0x13: {  	s0 =	simm.s32 $0x0  }
0x14: {  	[tilespmem:s0+$0x1CB80] =	vst v0  }
0x15: {  	[tilespmem:s0+$0x10600] =	vst v0  }
0x16: {  	[tilespmem:s0+$0x12D80] =	vst v0  }
0x17: {  	[tilespmem:s0+$0x15500] =	vst v0  }
0x18: {  	s1 =	simm.s32 $0x40;
	[tilespmem:s0+$0x17C80] =	vst v0  }
.LBB2_2:
0x19: {  	p0 =	sne.s32 s1, $0x9C00;
	[tilespmem:s0+$0x1A400] =	vst v0;
	s0 =	sshra.s32 s1, $0x2;
	s1 =	sadd.s32 $0x40, s1  }
.Ltmp0:
0x1a: {  	[tilespmem:s0+$0x1CB80] =	vst v0;
	(pc) =	sbr.rel @p0 .LBB2_2-.Ltmp0, $4  }
0x1b: {  	[tilespmem:s0+$0x10600] =	vst v0  }
0x1c: {  	[tilespmem:s0+$0x12D80] =	vst v0  }
0x1d: {  	[tilespmem:s0+$0x15500] =	vst v0  }
0x1e: {  	[tilespmem:s0+$0x17C80] =	vst v0  }
0x1f: {  	[tilespmem:s0+$0x1A400] =	vst v0;
	s0 =	simm.s32 $0x0;
	s1 =	rddreg [dreg:$0x2]  }
0x20: {  	[tilespmem:s17], [sflag:$0x1] =	stream.linear.gather [hbm4b:s1+s0], $0x2780, $0x38;
	[tilespmem:$0x1F300] =	vst v63  }
0x21: {  	_ =	swait.ge [sflag:s18], $0x2780  }
0x22: {  	[sflag:s18] =	ssyncset.done $0x0  }
0x23: {  	s5 =	rddreg [dreg:$0x3];
	[sflag:s18] =	ssyncadd.s32 $0xFFFFD880  }
0x24: {  	[tilespmem:s19], [sflag:$0x1] =	stream.linear.gather [hbm4b:s5+s0], $0x2780, $0x38;
	[tilespmem:$0x1F300] =	vst v63  }
0x25: {  	_ =	swait.ge [sflag:s18], $0x2780  }
0x26: {  	[sflag:s18] =	ssyncset.done $0x0  }
0x27: {  	[sflag:s18] =	ssyncadd.s32 $0xFFFFD880  }
0x28: {  	[tilespmem:s20], [sflag:$0x1] =	stream.linear.gather [hbm4b:s6+s0], $0x2780, $0x38;
	[tilespmem:$0x1F300] =	vst v63  }
0x29: {  	_ =	swait.ge [sflag:s18], $0x2780  }
0x2a: {  	[sflag:s18] =	ssyncset.done $0x0  }
0x2b: {  	[sflag:s18] =	ssyncadd.s32 $0xFFFFD880  }
0x2c: {  	[tilespmem:s21], [sflag:$0x1] =	stream.linear.gather [hbm4b:s7+s0], $0x2780, $0x38;
	[tilespmem:$0x1F300] =	vst v63  }
0x2d: {  	_ =	swait.ge [sflag:s18], $0x2780  }
0x2e: {  	[sflag:s18] =	ssyncset.done $0x0  }
0x2f: {  	[sflag:s18] =	ssyncadd.s32 $0xFFFFD880  }
0x30: {  	[tilespmem:s22], [sflag:$0x1] =	stream.linear.gather [hbm4b:s8+s0], $0x2780, $0x38;
	[tilespmem:$0x1F300] =	vst v63  }
0x31: {  	_ =	swait.ge [sflag:s18], $0x2780  }
0x32: {  	[sflag:s18] =	ssyncset.done $0x0  }
0x33: {  	[sflag:s18] =	ssyncadd.s32 $0xFFFFD880  }
0x34: {  	[tilespmem:s23], [sflag:$0x1] =	stream.linear.gather [hbm4b:s9+s0], $0x2780, $0x38;
	[tilespmem:$0x1F300] =	vst v63  }
0x35: {  	_ =	swait.ge [sflag:s18], $0x2780  }
0x36: {  	[sflag:s18] =	ssyncset.done $0x0  }
0x37: {  	s1 =	simm.s32 $0x0;
	[sflag:s18] =	ssyncadd.s32 $0xFFFFD880  }
.LBB2_4:
0x38: {  	s4 =	smul.u32 $0x320, s1;
	_ =	sdelay $0x1  }
0x39: {  	s4 =	sadd.s32 s3, s4  }
0x3a: {  	[tilespmem:s0], [sflag:$0x1] =	stream.linear.gather [hbm4b:s4+s0], $0x1900, $0x38;
	[tilespmem:$0x1F300] =	vst v63  }
0x3b: {  	_ =	swait.ge [sflag:s18], $0x1900  }
0x3c: {  	[sflag:s18] =	ssyncset.done $0x0  }
0x3d: {  	s4 =	simm.s32 $0x0;
	[sflag:s18] =	ssyncadd.s32 $0xFFFFE700  }
.LBB2_5:
0x3e: {  	s5 =	sshra.s32 s4, $0x2  }
0x3f: {  	v1 =	vld [tilespmem:s5+$0x0];
	_ =	sdelay $0x4  }
0x40: {  	v2 =	vand.u32 $0x3FFF, v1;
	_ =	sdelay $0x4  }
0x41: {  	v3 =	vld.idx.msk [tilespmem:v2+s17+$0x0], $0xffff  }
0x42: {  	v1 =	vshrl.u32 v1, $0xE;
	v4 =	vld.idx.msk [tilespmem:v2+s19+$0x0], $0xffff  }
0x43: {  	v5 =	vld.idx.msk [tilespmem:v2+s20+$0x0], $0xffff  }
0x44: {  	v6 =	vld.idx.msk [tilespmem:v2+s21+$0x0], $0xffff  }
0x45: {  	v7 =	vld.idx.msk [tilespmem:v2+s22+$0x0], $0xffff  }
0x46: {  	v2 =	vld.idx.msk [tilespmem:v2+s23+$0x0], $0xffff  }
0x47: {  	[tilespmem:v1+s24+$0x0] =	vst.idx.add.f32.msk $0xffff, v3  }
0x48: {  	[tilespmem:v1+s25+$0x0] =	vst.idx.add.f32.msk $0xffff, v4  }
0x49: {  	[tilespmem:v1+s26+$0x0] =	vst.idx.add.f32.msk $0xffff, v5  }
0x4a: {  	[tilespmem:v1+s28+$0x0] =	vst.idx.add.f32.msk $0xffff, v6  }
0x4b: {  	[tilespmem:v1+s29+$0x0] =	vst.idx.add.f32.msk $0xffff, v7  }
0x4c: {  	[tilespmem:v1+s30+$0x0] =	vst.idx.add.f32.msk $0xffff, v2  }
0x4d: {  	v1 =	vld [tilespmem:s5+$0x10];
	_ =	sdelay $0x4  }
0x4e: {  	v2 =	vand.u32 $0x3FFF, v1;
	_ =	sdelay $0x4  }
0x4f: {  	v3 =	vld.idx.msk [tilespmem:v2+s17+$0x0], $0xffff  }
0x50: {  	v1 =	vshrl.u32 v1, $0xE;
	v4 =	vld.idx.msk [tilespmem:v2+s19+$0x0], $0xffff  }
0x51: {  	v5 =	vld.idx.msk [tilespmem:v2+s20+$0x0], $0xffff  }
0x52: {  	v6 =	vld.idx.msk [tilespmem:v2+s21+$0x0], $0xffff  }
0x53: {  	v7 =	vld.idx.msk [tilespmem:v2+s22+$0x0], $0xffff  }
0x54: {  	v2 =	vld.idx.msk [tilespmem:v2+s23+$0x0], $0xffff  }
0x55: {  	[tilespmem:v1+s24+$0x0] =	vst.idx.add.f32.msk $0xffff, v3  }
0x56: {  	[tilespmem:v1+s25+$0x0] =	vst.idx.add.f32.msk $0xffff, v4  }
0x57: {  	[tilespmem:v1+s26+$0x0] =	vst.idx.add.f32.msk $0xffff, v5  }
0x58: {  	[tilespmem:v1+s28+$0x0] =	vst.idx.add.f32.msk $0xffff, v6  }
0x59: {  	[tilespmem:v1+s29+$0x0] =	vst.idx.add.f32.msk $0xffff, v7  }
0x5a: {  	[tilespmem:v1+s30+$0x0] =	vst.idx.add.f32.msk $0xffff, v2  }
0x5b: {  	v1 =	vld [tilespmem:s5+$0x20];
	_ =	sdelay $0x4  }
0x5c: {  	v2 =	vand.u32 $0x3FFF, v1;
	_ =	sdelay $0x4  }
0x5d: {  	v3 =	vld.idx.msk [tilespmem:v2+s17+$0x0], $0xffff  }
0x5e: {  	v1 =	vshrl.u32 v1, $0xE;
	v4 =	vld.idx.msk [tilespmem:v2+s19+$0x0], $0xffff  }
0x5f: {  	v5 =	vld.idx.msk [tilespmem:v2+s20+$0x0], $0xffff  }
0x60: {  	v6 =	vld.idx.msk [tilespmem:v2+s21+$0x0], $0xffff  }
0x61: {  	v7 =	vld.idx.msk [tilespmem:v2+s22+$0x0], $0xffff  }
0x62: {  	v2 =	vld.idx.msk [tilespmem:v2+s23+$0x0], $0xffff  }
0x63: {  	[tilespmem:v1+s24+$0x0] =	vst.idx.add.f32.msk $0xffff, v3  }
0x64: {  	[tilespmem:v1+s25+$0x0] =	vst.idx.add.f32.msk $0xffff, v4  }
0x65: {  	[tilespmem:v1+s26+$0x0] =	vst.idx.add.f32.msk $0xffff, v5  }
0x66: {  	[tilespmem:v1+s28+$0x0] =	vst.idx.add.f32.msk $0xffff, v6  }
0x67: {  	[tilespmem:v1+s29+$0x0] =	vst.idx.add.f32.msk $0xffff, v7  }
0x68: {  	[tilespmem:v1+s30+$0x0] =	vst.idx.add.f32.msk $0xffff, v2  }
0x69: {  	v1 =	vld [tilespmem:s5+$0x30];
	_ =	sdelay $0x4  }
0x6a: {  	v2 =	vand.u32 $0x3FFF, v1;
	_ =	sdelay $0x4  }
0x6b: {  	v3 =	vld.idx.msk [tilespmem:v2+s17+$0x0], $0xffff  }
0x6c: {  	v1 =	vshrl.u32 v1, $0xE;
	v4 =	vld.idx.msk [tilespmem:v2+s19+$0x0], $0xffff  }
0x6d: {  	v5 =	vld.idx.msk [tilespmem:v2+s20+$0x0], $0xffff  }
0x6e: {  	v6 =	vld.idx.msk [tilespmem:v2+s21+$0x0], $0xffff  }
0x6f: {  	v7 =	vld.idx.msk [tilespmem:v2+s22+$0x0], $0xffff  }
0x70: {  	v2 =	vld.idx.msk [tilespmem:v2+s23+$0x0], $0xffff  }
0x71: {  	p0 =	sne.s32 s4, $0x6300;
	[tilespmem:v1+s24+$0x0] =	vst.idx.add.f32.msk $0xffff, v3  }
.Ltmp1:
0x72: {  	[tilespmem:v1+s25+$0x0] =	vst.idx.add.f32.msk $0xffff, v4;
	(pc) =	sbr.rel @p0 .LBB2_5-.Ltmp1, $4  }
0x73: {  	[tilespmem:v1+s26+$0x0] =	vst.idx.add.f32.msk $0xffff, v5  }
0x74: {  	[tilespmem:v1+s28+$0x0] =	vst.idx.add.f32.msk $0xffff, v6  }
0x75: {  	[tilespmem:v1+s29+$0x0] =	vst.idx.add.f32.msk $0xffff, v7  }
0x76: {  	s4 =	sadd.s32 $0x100, s4;
	[tilespmem:v1+s30+$0x0] =	vst.idx.add.f32.msk $0xffff, v2  }
0x77: {  	s1 =	sadd.s32 $0x1, s1  }
0x78: {  	p0 =	sne.s32 s1, $0x32  }
.Ltmp2:
0x79: {  	_ = 	snop;
	(pc) =	sbr.rel @p0 .LBB2_4-.Ltmp2, $1  }
0x7a: {  	_ =	sdelay $0x3  }
0x7b: {  	[hbm4b:s10+s2] =	stream.linear.scatter [tilespmem:s24], [sflag:$0x1], $0x2780, $0x38;
	[tilespmem:$0x1F300] =	vst v63  }
0x7c: {  	_ =	swait.ge [sflag:s18], $0x2780  }
0x7d: {  	[sflag:s18] =	ssyncset.done $0x0  }
0x7e: {  	[sflag:s18] =	ssyncadd.s32 $0xFFFFD880  }
0x7f: {  	[hbm4b:s11+s2] =	stream.linear.scatter [tilespmem:s25], [sflag:$0x1], $0x2780, $0x38;
	[tilespmem:$0x1F300] =	vst v63  }
0x80: {  	_ =	swait.ge [sflag:s18], $0x2780  }
0x81: {  	[sflag:s18] =	ssyncset.done $0x0  }
0x82: {  	[sflag:s18] =	ssyncadd.s32 $0xFFFFD880  }
0x83: {  	[hbm4b:s12+s2] =	stream.linear.scatter [tilespmem:s26], [sflag:$0x1], $0x2780, $0x38;
	[tilespmem:$0x1F300] =	vst v63  }
0x84: {  	_ =	swait.ge [sflag:s18], $0x2780  }
0x85: {  	[sflag:s18] =	ssyncset.done $0x0  }
0x86: {  	[sflag:s18] =	ssyncadd.s32 $0xFFFFD880  }
0x87: {  	[hbm4b:s13+s2] =	stream.linear.scatter [tilespmem:s28], [sflag:$0x1], $0x2780, $0x38;
	[tilespmem:$0x1F300] =	vst v63  }
0x88: {  	_ =	swait.ge [sflag:s18], $0x2780  }
0x89: {  	[sflag:s18] =	ssyncset.done $0x0  }
0x8a: {  	[sflag:s18] =	ssyncadd.s32 $0xFFFFD880  }
0x8b: {  	[hbm4b:s14+s2] =	stream.linear.scatter [tilespmem:s29], [sflag:$0x1], $0x2780, $0x38;
	[tilespmem:$0x1F300] =	vst v63  }
0x8c: {  	s31 =	sadd.s32 $0x1, s31;
	_ =	swait.ge [sflag:s18], $0x2780  }
0x8d: {  	p0 =	sne.s32 s31, s16;
	[sflag:s18] =	ssyncset.done $0x0  }
.Ltmp3:
0x8e: {  	[sflag:s18] =	ssyncadd.s32 $0xFFFFD880;
	(pc) =	sbr.rel @p0 .LBB2_1-.Ltmp3, $4  }
0x8f: {  	[hbm4b:s15+s2] =	stream.linear.scatter [tilespmem:s30], [sflag:$0x1], $0x2780, $0x38;
	[tilespmem:$0x1F300] =	vst v63  }
0x90: {  	_ =	swait.ge [sflag:s18], $0x2780  }
0x91: {  	[sflag:s18] =	ssyncset.done $0x0  }
0x92: {  	[sflag:s18] =	ssyncadd.s32 $0xFFFFD880  }
0x93: {  	_ =	sfence.sel $0x180000  }
0x94: {  	[bflag:$0x0] =	sbarrier.arrive $0xFFFF  }
0x95: {  	_ =	strace $0x9000004A  }
0x96: {  	s0 =	stileid.u32;
	[bflag:$0x2] =	sbarrier.arrive $0xFFFF  }
0x97: {  	p0 =	sne.s32 s0, $0x0;
	s0 =	rddreg [dreg:$0x1]  }
0x98: {  	s0 =	sadd.s32 @!p0 $0x100000, s0  }
0x99: {  	[sflag:s0] =	ssyncadd.tile.s32 @!p0 $0x1;
	_ =	shalt  }
.Lfunc_end2:
_tile_overlayer_lowered:
.L_overlay_start_2:
0x9a: {  	(tag) =	ssettag $0x2  }
0x9b: {  	s0 =	rddreg [dreg:$0x0];
	s2 =	stileid.u32  }
0x9c: {  	s1 =	rddreg [dreg:$0x1];
	p0 =	sne.s32 s2, $0x0  }
0x9d: {  	s3 =	rddreg [dreg:$0x2];
	[bflag:$0x3] =	sbarrier.arrive $0xFFFF;
	s2 =	simm.s32 @!p0 $0x1C01  }
0x9e: {  	[timem:s3], [sflag:s2] =	dma.local @!p0 [hbm:s0], s1  }
0x9f: {  	s0 =	simm.s32 @!p0 $0x1  }
0xa0: {  	_ =	swait.ge @!p0 [sflag:s0], s1  }
0xa1: {  	s1 =	ssub.s32 @!p0 $0x0, s1;
	[sflag:s0] =	ssyncset.done @!p0 $0x0  }
0xa2: {  	[sflag:s0] =	ssyncadd.s32 @!p0 s1  }
0xa3: {  	[bflag:$0x3] =	sbarrier.arrive $0xFFFF  }
0xa4: {  	_ =	shalt  }

// kernel: kernel.7.cloned.1.call-start
scs
__scs_entry_jumppad:
0x0: {  	(pc) =	sbr.rel $0x88, $3  }
0x1: {  	(tag) =	ssettag $0x0;
	lr =	simm.s32 $0x1  }
0x2: {  	[smem:$0x3F96] =	sst lr;
	_ =	strace $0xD0000000  }
0x3: {  	_ = 	snop  }
0x4: {  	_ = 	snop  }
0x5: {  	_ = 	snop  }
0x6: {  	_ = 	snop  }
0x7: {  	_ = 	snop  }
__scs_overlays_trampoline_lowered:
0x8: {  	[smem:$0x3FA5] =	sst s0  }
0x9: {  	[smem:$0x3FA6] =	sst s1  }
0xa: {  	[smem:$0x3FA7] =	sst s2  }
0xb: {  	[smem:$0x3FA8] =	sst s3  }
0xc: {  	[smem:$0x3FA9] =	sst s4  }
0xd: {  	[smem:$0x3FAA] =	sst s5  }
0xe: {  	[smem:$0x3FAB] =	sst s6  }
0xf: {  	[smem:$0x3FAC] =	sst s7  }
0x10: {  	[smem:$0x3FAD] =	sst s8  }
0x11: {  	[smem:$0x3FAE] =	sst s9;
	s0 =	simm.s32 @!p0 $0x0  }
0x12: {  	s1 =	sld [smem:$0x3F94];
	s0 =	simm.s32 @p0 $0x1  }
0x13: {  	[smem:$0x3FAF] =	sst s0;
	s0 =	simm.s32 @!p1 $0x0  }
0x14: {  	s2 =	sld [smem:$0x3F93];
	s0 =	simm.s32 @p1 $0x1  }
0x15: {  	[smem:$0x3FB0] =	sst s0;
	s0 =	simm.s32 @!p2 $0x0  }
0x16: {  	s3 =	sld [smem:$0x3FDB];
	s0 =	simm.s32 @p2 $0x1  }
0x17: {  	s4 =	simm.s32 $0x1BF5;
	[smem:$0x3FB2] =	sst s0  }
0x18: {  	s0 =	sld [smem:$0x3F95];
	_ =	swait.ge [sflag:s4], $0x0  }
0x19: {  	s7 =	sld [smem:$0x3F96]  }
0x1a: {  	s8 =	sadd.s32 $0xFFFFE003, lr  }
0x1b: {  	s9 =	sadd.s32 $0xFFFFFEF7, lr;
	s5 =	simm.s32 $0xFFFFFFFF;
	p2 =	slt.u32 s8, $0xFFFFF086  }
0x1c: {  	p1 =	slt.u32 s9, $0xF7A;
	s5 =	simm.s32 @!p2 $0x0  }
0x1d: {  	s5 =	simm.s32 @p1 $0x1;
	p0 =	seq.s32 s7, s2  }
0x1e: {  	s7 =	smul.u32 @!p0 $0xF7A, s2;
	p2 =	seq.s32 @!p0 s5, $0x0  }
0x1f: {  	s9 =	smul.u32 $0xF7A, s1;
	s8 =	simm.s32 @!p0 $0x1BF5;
	p2 =	por !p2, p0  }
0x20: {  	[sflag:s8] =	ssyncset.s32 @!p0 $0xFFFFF086;
	s6 =	sadd.s32 @!p0 s3, s7;
	s7 =	simm.s32 @!p0 $0x108  }
0x21: {  	s3 =	sadd.s32 s3, s9;
	s6 =	sadd.s32 @!p0 $0x88, s6;
	s7 =	simm.s32 @p2 $0x1082  }
0x22: {  	[simem:s7], [sflag:s8] =	dma.local @!p0 [hbm:s6], $0xF7A  }
0x23: {  	s9 =	sor.u32 $0xD0000000, s2;
	s6 =	simm.s32 $0x108;
	_ =	swait.ge @!p0 [sflag:s8], $0x0  }
0x24: {  	s3 =	sadd.s32 $0x88, s3;
	s6 =	simm.s32 @!p1 $0x1082;
	[sflag:s4] =	ssyncset.s32 $0xFFFFF086  }
0x25: {  	[simem:s6], [sflag:s4] =	dma.local [hbm:s3], $0xF7A  }
0x26: {  	[smem:$0x3F96] =	sst s1;
	(tag) =	ssettag s2;
	_ =	strace s9  }
0x27: {  	s1 =	sld [smem:$0x3FA6]  }
0x28: {  	s2 =	sld [smem:$0x3FA7]  }
0x29: {  	s4 =	sld [smem:$0x3FA9]  }
0x2a: {  	p0 =	seq.s32 s5, $0x0;
	s5 =	sld [smem:$0x3FAA]  }
0x2b: {  	s6 =	sld [smem:$0x3FAB]  }
0x2c: {  	s7 =	sld [smem:$0x3FAC]  }
0x2d: {  	s3 =	simm.s32 $0x108;
	s8 =	sld [smem:$0x3FAD]  }
0x2e: {  	s3 =	simm.s32 @!p0 $0x1082;
	s9 =	sld [smem:$0x3FAE]  }
0x2f: {  	lr =	sadd.s32 s0, s3;
	s0 =	sld [smem:$0x3FA5]  }
0x30: {  	s3 =	sld [smem:$0x3FA8]  }
0x31: {  	[smem:$0x3FB1] =	sst s10  }
0x32: {  	s10 =	sld [smem:$0x3FAF];
	_ =	sdelay $0x3  }
0x33: {  	p0 =	seq.s32 s10, $0x1;
	s10 =	sld [smem:$0x3FB1];
	_ =	sdelay $0x3  }
0x34: {  	[smem:$0x3FB1] =	sst s10  }
0x35: {  	s10 =	sld [smem:$0x3FB0];
	_ =	sdelay $0x3  }
0x36: {  	p1 =	seq.s32 s10, $0x1;
	s10 =	sld [smem:$0x3FB1];
	_ =	sdelay $0x3  }
0x37: {  	[smem:$0x3FB1] =	sst s10  }
0x38: {  	s10 =	sld [smem:$0x3FB2]  }
0x39: {  	_ = 	snop;
	(pc) =	sbr.ind lr, $3  }
0x3a: {  	_ = 	snop  }
0x3b: {  	_ = 	snop  }
0x3c: {  	p2 =	seq.s32 s10, $0x1;
	s10 =	sld [smem:$0x3FB1]  }
0x3d: {  	_ =	shalt  }
0x3e: {  	_ =	shalt  }
0x3f: {  	_ =	shalt  }
0x40: {  	_ =	shalt  }
0x41: {  	_ =	shalt  }
0x42: {  	_ =	shalt  }
0x43: {  	_ =	shalt  }
0x44: {  	_ =	shalt  }
0x45: {  	_ =	shalt  }
0x46: {  	_ =	shalt  }
0x47: {  	_ =	shalt  }
0x48: {  	_ =	shalt  }
0x49: {  	_ =	shalt  }
0x4a: {  	_ =	shalt  }
0x4b: {  	_ =	shalt  }
0x4c: {  	_ =	shalt  }
0x4d: {  	_ =	shalt  }
0x4e: {  	_ =	shalt  }
0x4f: {  	_ =	shalt  }
0x50: {  	_ =	shalt  }
0x51: {  	_ =	shalt  }
0x52: {  	_ =	shalt  }
0x53: {  	_ =	shalt  }
0x54: {  	_ =	shalt  }
0x55: {  	_ =	shalt  }
0x56: {  	_ =	shalt  }
0x57: {  	_ =	shalt  }
0x58: {  	_ =	shalt  }
0x59: {  	_ =	shalt  }
0x5a: {  	_ =	shalt  }
0x5b: {  	_ =	shalt  }
0x5c: {  	_ =	shalt  }
0x5d: {  	_ =	shalt  }
0x5e: {  	_ =	shalt  }
0x5f: {  	_ =	shalt  }
0x60: {  	_ =	shalt  }
0x61: {  	_ =	shalt  }
0x62: {  	_ =	shalt  }
0x63: {  	_ =	shalt  }
0x64: {  	_ =	shalt  }
0x65: {  	_ =	shalt  }
0x66: {  	_ =	shalt  }
0x67: {  	_ =	shalt  }
0x68: {  	_ =	shalt  }
0x69: {  	_ =	shalt  }
0x6a: {  	_ =	shalt  }
0x6b: {  	_ =	shalt  }
0x6c: {  	_ =	shalt  }
0x6d: {  	_ =	shalt  }
0x6e: {  	_ =	shalt  }
0x6f: {  	_ =	shalt  }
0x70: {  	_ =	shalt  }
0x71: {  	_ =	shalt  }
0x72: {  	_ =	shalt  }
0x73: {  	_ =	shalt  }
0x74: {  	_ =	shalt  }
0x75: {  	_ =	shalt  }
0x76: {  	_ =	shalt  }
0x77: {  	_ =	shalt  }
0x78: {  	_ =	shalt  }
0x79: {  	_ =	shalt  }
0x7a: {  	_ =	shalt  }
0x7b: {  	_ =	shalt  }
0x7c: {  	_ =	shalt  }
0x7d: {  	_ =	shalt  }
0x7e: {  	_ =	shalt  }
0x7f: {  	_ =	shalt  }
0x80: {  	_ =	shalt  }
0x81: {  	_ =	shalt  }
0x82: {  	_ =	shalt  }
0x83: {  	_ =	shalt  }
0x84: {  	_ =	shalt  }
0x85: {  	_ =	shalt  }
0x86: {  	_ =	shalt  }
0x87: {  	_ =	shalt  }
.Lfunc_end0:
.L_simem_size_0:
called_computation_lowered:
.L_overlay_start_0:
0x88: {  	s2 =	sld [smem:$0x3FD9]  }
0x89: {  	s3 =	sld [smem:$0x3FFE];
	_ =	sdelay $0x1  }
0x8a: {  	s1 =	srdreg.scid  }
0x8b: {  	s0 =	sand.u32 $0x1, s1  }
0x8c: {  	s16 =	sshll.u32 s0, $0xA;
	s2 =	sadd.s32 s3, s2  }
0x8d: {  	s2 =	sadd.s32 s2, s16  }
0x8e: {  	[smem:$0x3FBD] =	sst s2  }
0x8f: {  	_ = 	snop  }
0x90: {  	(tm) =	ssettm $0x1  }
0x91: {  	s17 =	sld [smem:$0x3FFB];
	_ =	sdelay $0x3  }
0x92: {  	_ =	strace s17  }
0x93: {  	s2 =	sld [smem:$0x3FFC];
	_ =	sdelay $0x3  }
0x94: {  	_ =	strace s2  }
0x95: {  	s2 =	sld [smem:$0x3FFD];
	_ =	sdelay $0x3  }
0x96: {  	_ =	strace s2  }
0x97: {  	_ =	strace $0x8FFFFFFF  }
0x98: {  	s18 =	sld [smem:$0x3FDB];
	_ =	sdelay $0x1  }
0x99: {  	s19 =	simm.s32 $_scs_section_size  }
0x9a: {  	s4 =	simm.s32 $_size__tile_overlayer_lowered;
	s5 =	simm.s32 $_tile_overlayer_lowered  }
0x9b: {  	s22 =	simm.s32 $0x1BFF;
	s21 =	sshll.u32 s5, $0x1;
	s2 =	sadd.s32 s19, s18  }
0x9c: {  	s6 =	simm.s32 $0x0;
	s20 =	sshll.u32 s4, $0x1;
	s4 =	sadd.s32 s21, s2  }
0x9d: {  	[timem:s6], [sflag:s22] =	dma.local [hbm:s4], s20  }
0x9e: {  	_ =	swait.ge [sflag:s22], s20  }
0x9f: {  	s3 =	ssub.s32 $0x0, s20;
	[sflag:s22] =	ssyncset.done $0x0  }
0xa0: {  	[sflag:s22] =	ssyncadd.s32 s3;
	_ =	sdelay $0x1  }
0xa1: {  	s23 =	simm.s32 $0x1B8B  }
0xa2: {  	_ =	swait.ge [sflag:s23], $0x1  }
0xa3: {  	[sflag:s23] =	ssyncset.done $0x0  }
0xa4: {  	s25 =	simm.s32 $0x1B8E;
	s24 =	sld [smem:$0x3FFE];
	[sflag:s23] =	ssyncadd.s32 $0xFFFFFFFF  }
0xa5: {  	s26 =	simm.s32 $execute0_lowered;
	[smem:$0x3FD2] =	sst s25  }
0xa6: {  	s4 =	sshll.u32 s26, $0x1;
	_ =	strace $0x80000046;
	[dreg:$0x1] =	wrdreg $0xFFFFFFFF  }
0xa7: {  	s28 =	simm.s32 $_size_execute0_lowered;
	s2 =	sadd.s32 s2, s4;
	[dreg:$0x0] =	wrdreg $0x0  }
0xa8: {  	s4 =	sshll.u32 s28, $0x1;
	[dreg:$0x2] =	wrdreg s2  }
0xa9: {  	[dreg:$0x3] =	wrdreg s4  }
0xaa: {  	[dreg:$0x4] =	wrdreg $0xC0  }
0xab: {  	_ =	task [dreg:s6], $0x5FFFF  }
0xac: {  	[dreg:$0x1] =	wrdreg $0xFFFFFFFF  }
0xad: {  	[dreg:$0x0] =	wrdreg $0x60  }
0xae: {  	[dreg:$0x2] =	wrdreg s24  }
0xaf: {  	[dreg:$0x3] =	wrdreg $0x9  }
0xb0: {  	_ =	task.clear_ibuf [dreg:s6], $0x4FFFF;
	_ =	strace $0x90000046  }
0xb1: {  	s29 =	simm.s32 $0x9;
	_ =	strace $0x80000048  }
0xb2: {  	_ =	swait.ge [sflag:s29], $0x1  }
0xb3: {  	[sflag:s29] =	ssyncadd.s32 $0xFFFFFFFF  }
0xb4: {  	_ =	strace $0x90000048  }
0xb5: {  	_ =	sfence  }
0xb6: {  	s30 =	sld [smem:$0x0];
	_ =	sdelay $0x2  }
0xb7: {  	s31 =	sshll.u32 s1, $0xD;
	s1 =	sshrl.u32 s1, $0x2  }
0xb8: {  	s3 =	sand.u32 $0x4000, s31;
	s1 =	sadd.s32 s1, s30  }
0xb9: {  	s0 =	sor.u32 s3, s0;
	s1 =	sshll.u32 s1, $0x11  }
0xba: {  	s0 =	sor.u32 s1, s0  }
0xbb: {  	s0 =	sadd.s32 $0x8F2B, s0  }
0xbc: {  	[sflag:s0] =	ssyncadd.remote.s32 $0x1  }
0xbd: {  	_ =	sfence.sel $0xFFFF  }
0xbe: {  	[dreg:$0x0] =	wrdreg $0xFFFFFFFF;
	(pc) =	sbr.abs _section_cstart, $3  }
0xbf: {  	[dreg:$0x1] =	wrdreg $0xFFFFFFFF  }
0xc0: {  	_ =	task.clear_ibuf [dreg:s6], $0x2FFFF;
	_ =	strace $0x9FFFFFFF  }
0xc1: {  	(tm) =	ssettm $0x7FFFFFFF  }
tec
execute0_lowered:
.L_overlay_start_1:
0x0: {  	(tag) =	ssettag $0x1  }
0x1: {  	s0 =	srdreg.scid  }
0x2: {  	s3 =	sand.u32 $0x1, s0  }
0x3: {  	s4 =	rddreg [dreg:$0x0];
	s0 =	stileid.u32;
	s1 =	sshll.u32 s3, $0x4  }
0x4: {  	s2 =	simm.s32 $0x0;
	s8 =	simm.s32 $0x0;
	s5 =	sor.u32 s0, s1  }
0x5: {  	[smem:$0x7FF] =	sst s2;
	s3 =	ssub.s32 $0x2, s3;
	s6 =	smul.u32 $0x4E2, s5  }
0x6: {  	s1 =	rddreg [dreg:$0x1];
	s7 =	sshrl.u32 s3, $0x1;
	s5 =	smul.u32 $0x500, s5  }
0x7: {  	_ =	strace $0x80000047;
	s31 =	ssub.s32 s3, s7;
	s7 =	simm.s32 $0x2780  }
0x8: {  	s6 =	sadd.s32 s6, s4;
	s4 =	sadd.s32 s5, s4;
	s5 =	smax.u32 s31, $0x1  }
0x9: {  	v0 =	vimm.f32 $0.0e+00;
	v1 =	vimm.f32 $1.000000000e+00;
	s3 =	sadd.s32 $0x2A00, s6;
	s4 =	sadd.s32 $0xC800, s4;
	s6 =	simm.s32 $0x1  }
.LBB2_1:
0xa: {  	s9 =	simm.s32 $0x40;
	s10 =	simm.s32 $0x0  }
.LBB2_2:
0xb: {  	p0 =	sne.s32 s9, $0x9FC0;
	[tilespmem:s10+$0x2780] =	vst v0;
	s10 =	smov.u32 s9;
	s9 =	sadd.s32 $0x40, s9  }
.Ltmp0:
0xc: {  	(pc) =	sbr.rel @p0 .LBB2_2-.Ltmp0, $2  }
0xd: {  	_ =	sdelay $0x2  }
0xe: {  	s10 =	sshra.s32 s10, $0x2  }
0xf: {  	[tilespmem:s10+$0x2780] =	vst v0;
	s9 =	simm.s32 $0x0  }
0x10: {  	[tilespmem:s9], [sflag:$0x1] =	stream.linear.gather [hbm4b:s3+s9], $0x2710, $0x38;
	[tilespmem:$0x4F80] =	vst v63  }
0x11: {  	_ =	swait.ge [sflag:s6], $0x2710  }
0x12: {  	[sflag:s6] =	ssyncset.done $0x0  }
0x13: {  	s10 =	simm.s32 $0x0;
	s9 =	simm.s32 $0x40;
	[sflag:s6] =	ssyncadd.s32 $0xFFFFD8F0  }
.LBB2_4:
0x14: {  	p0 =	sne.s32 s9, $0x9C00;
	v2 =	vld [tilespmem:s10+$0x0];
	_ =	sdelay $0x3  }
.Ltmp1:
0x15: {  	(pc) =	sbr.rel @p0 .LBB2_4-.Ltmp1, $2  }
0x16: {  	_ =	sdelay $0x2  }
0x17: {  	s10 =	sshra.s32 s9, $0x2;
	s9 =	sadd.s32 $0x40, s9;
	[tilespmem:v2+s7+$0x0] =	vst.idx.add.f32.msk $0xffff, v1  }
0x18: {  	v2 =	vld [tilespmem:s10+$0x0];
	_ =	sdelay $0x5  }
0x19: {  	s8 =	sadd.s32 $0x1, s8  }
0x1a: {  	p0 =	sne.s32 s8, s5  }
.Ltmp2:
0x1b: {  	[tilespmem:v2+s7+$0x0] =	vst.idx.add.f32.msk $0xffff, v1;
	(pc) =	sbr.rel @p0 .LBB2_1-.Ltmp2, $4  }
0x1c: {  	[hbm4b:s4+s2] =	stream.linear.scatter [tilespmem:s7], [sflag:$0x1], $0x2800, $0x38;
	[tilespmem:$0x4F80] =	vst v63  }
0x1d: {  	_ =	swait.ge [sflag:s6], $0x2800  }
0x1e: {  	[sflag:s6] =	ssyncset.done $0x0  }
0x1f: {  	[sflag:s6] =	ssyncadd.s32 $0xFFFFD800  }
0x20: {  	_ =	sfence.sel $0x180000  }
0x21: {  	[bflag:$0x0] =	sbarrier.arrive $0xFFFF  }
0x22: {  	p0 =	sne.s32 s0, $0x0;
	_ =	strace $0x90000047  }
0x23: {  	s0 =	sadd.s32 @!p0 $0x100000, s1;
	[bflag:$0x2] =	sbarrier.arrive $0xFFFF  }
0x24: {  	[sflag:s0] =	ssyncadd.tile.s32 @!p0 $0x1;
	_ =	shalt  }
.Lfunc_end2:
_tile_overlayer_lowered:
.L_overlay_start_2:
0x25: {  	(tag) =	ssettag $0x2  }
0x26: {  	s0 =	rddreg [dreg:$0x0];
	s2 =	stileid.u32  }
0x27: {  	s1 =	rddreg [dreg:$0x1];
	p0 =	sne.s32 s2, $0x0  }
0x28: {  	s3 =	rddreg [dreg:$0x2];
	[bflag:$0x3] =	sbarrier.arrive $0xFFFF;
	s2 =	simm.s32 @!p0 $0x1C01  }
0x29: {  	[timem:s3], [sflag:s2] =	dma.local @!p0 [hbm:s0], s1  }
0x2a: {  	s0 =	simm.s32 @!p0 $0x1  }
0x2b: {  	_ =	swait.ge @!p0 [sflag:s0], s1  }
0x2c: {  	s1 =	ssub.s32 @!p0 $0x0, s1;
	[sflag:s0] =	ssyncset.done @!p0 $0x0  }
0x2d: {  	[sflag:s0] =	ssyncadd.s32 @!p0 s1  }
0x2e: {  	[bflag:$0x3] =	sbarrier.arrive $0xFFFF  }
0x2f: {  	_ =	shalt  }

</sc_bundles>
